<compile_context>
chip_gen: v7x
topology: tpu7x:2x2x1
jax: 0.10.2.dev20260603
libtpu: 0.0.44.dev20260713+nightly
codegen_flags: <defaults>
</compile_context>

<pallas_src>
import functools
import math

import jax
import jax.numpy as jnp
from jax import lax
from jax.experimental import pallas as pl
from jax.experimental.pallas import tpu as pltpu
from jax.experimental.pallas import tpu_sc as plsc

_CUTOFF = 10.0
_ON_CUT = 0.25 * _CUTOFF
_OFF_CUT = 0.75 * _CUTOFF
_ALPHA = 4.0 / _CUTOFF + 0.001
_ALPHA2 = _ALPHA ** 2
_ONE_OVER_SQRTPI = 1.0 / math.sqrt(math.pi)
_NMAX = (2, 2, 2)

_N_ATOMS = 100000
_N_EDGES = 6400000
_N_MOL = 64

_NC = 2
_NS = 16
_NW = _NC * _NS
_LANES = 16

_NP = 100352
_BA = 2048
_NBLK = _NP // _BA
_CH = 2048
_EPW = _N_EDGES // _NW
_NFULL = _EPW // _CH
_CH_T = _EPW - _NFULL * _CH
_OUT_SLICE = _NP // _NS

_MTAB = 2048
_HTAB = 9.8 / (_MTAB - 1)


def _kvec_mats():
    import itertools
    import numpy as np
    k = []
    for i in range(3):
        kk = [float(v) for v in range(_NMAX[i] + 1)] + [
            float(-v) for v in range(1, _NMAX[i] + 1)]
        k.append(kk)
    lk = list(itertools.product(k[0], k[1], k[2]))[1:]
    kvecs = np.array(lk, dtype=np.float32)
    kmax = max(_NMAX)
    kvecs = kvecs[(kvecs ** 2).sum(-1) <= kmax ** 2]
    return kvecs


_KVECS = _kvec_mats()
_NK = _KVECS.shape[0]



def _radial_weight_table():
    d = jnp.float32(0.2) + _HTAB * jnp.arange(_MTAB, dtype=jnp.float32)
    x = (d - _ON_CUT) / (_OFF_CUT - _ON_CUT)
    ones = jnp.ones_like(x)
    zeros = jnp.zeros_like(x)
    x_p = jnp.where(x <= 0, ones, x)
    fp = jnp.where(x <= 0, zeros, jnp.exp(-ones / x_p))
    x_m = jnp.where(1.0 - x <= 0, ones, 1.0 - x)
    fm = jnp.where(1.0 - x <= 0, zeros, jnp.exp(-ones / x_m))
    f = jnp.where(x <= 0, ones, jnp.where(x >= 1, zeros, fm / (fp + fm)))
    coulomb = 1.0 / d
    damped = 1.0 / jnp.sqrt(d * d + 1.0)
    w = 0.5 * (f * damped + (1.0 - f) * coulomb) * jax.scipy.special.erfc(
        jnp.float32(_ALPHA) * d)
    return w.astype(jnp.float32)


def _compute_chunk(qa_v, wt_v, d_v, ii_v, jj_v, pw_v, nvec):
    inv_h = jnp.float32(1.0 / _HTAB)
    d0 = jnp.float32(0.2)
    imax = jnp.int32(_MTAB - 2)

    @plsc.parallel_loop(0, nvec * _LANES, _LANES, unroll=4)
    def vec_body(co):
        ii = ii_v[pl.ds(co, _LANES)]
        jj = jj_v[pl.ds(co, _LANES)]
        d = d_v[pl.ds(co, _LANES)]
        qi = plsc.load_gather(qa_v, [ii])
        qj = plsc.load_gather(qa_v, [jj])
        x = (d - d0) * inv_h
        i0 = jnp.minimum(x.astype(jnp.int32), imax)
        frac = x - i0.astype(jnp.float32)
        w0 = plsc.load_gather(wt_v, [i0])
        w1 = plsc.load_gather(wt_v, [i0 + 1])
        w = w0 + frac * (w1 - w0)
        pw_v[pl.ds(co, _LANES)] = (qi * qj) * w


def _sc_body(qa_hbm, dij_hbm, ii_hbm, jj_hbm, zeros_hbm, wtab_hbm, out_hbm,
             qa_v, wt_v, acc,
             d0_v, i0_v, j0_v, d1_v, i1_v, j1_v, pw0_v, pw1_v,
             dt_v, it_v, jt_v, pwt_v,
             sem0, sem1, ssem0, ssem1):
    cid = lax.axis_index("c")
    sid = lax.axis_index("s")
    wid = sid * _NC + cid

    pltpu.sync_copy(qa_hbm, qa_v)
    pltpu.sync_copy(wtab_hbm, wt_v)

    @pl.when(sid == 0)
    def _():
        pltpu.sync_copy(zeros_hbm, acc)

    plsc.subcore_barrier()

    e0 = wid * _EPW
    bufs = ((d0_v, i0_v, j0_v, pw0_v, sem0, ssem0),
            (d1_v, i1_v, j1_v, pw1_v, sem1, ssem1))

    def start_loads(ch, buf):
        dv, iv, jv, _, sem, _ = buf
        base = e0 + ch * _CH
        pltpu.async_copy(dij_hbm.at[pl.ds(base, _CH)], dv, sem)
        pltpu.async_copy(ii_hbm.at[pl.ds(base, _CH)], iv, sem)
        pltpu.async_copy(jj_hbm.at[pl.ds(base, _CH)], jv, sem)

    def wait_loads(buf):
        dv, iv, jv, _, sem, _ = buf
        pltpu.make_async_copy(dij_hbm.at[pl.ds(0, _CH)], dv, sem).wait()
        pltpu.make_async_copy(ii_hbm.at[pl.ds(0, _CH)], iv, sem).wait()
        pltpu.make_async_copy(jj_hbm.at[pl.ds(0, _CH)], jv, sem).wait()

    def start_scatter(buf):
        _, iv, _, pwv, _, ssem = buf
        pltpu.async_copy(pwv, acc.at[iv], ssem, add=True)

    def wait_scatter(buf):
        _, iv, _, pwv, _, ssem = buf
        pltpu.make_async_copy(pwv, acc.at[iv], ssem).wait()

    def compute_into(buf):
        dv, iv, jv, pwv, _, _ = buf
        wait_loads(buf)
        _compute_chunk(qa_v, wt_v, dv, iv, jv, pwv, _CH // _LANES)

    start_loads(0, bufs[0])

    def super_body(i, carry):
        ch = i * 2
        @pl.when(i > 0)
        def _():
            wait_scatter(bufs[1])

        start_loads(ch + 1, bufs[1])
        compute_into(bufs[0])
        start_scatter(bufs[0])

        wait_scatter(bufs[0])
        start_loads(ch + 2, bufs[0])
        compute_into(bufs[1])
        start_scatter(bufs[1])
        return carry

    lax.fori_loop(0, (_NFULL - 1) // 2, super_body, 0)
    wait_scatter(bufs[1])
    compute_into(bufs[0])
    pltpu.sync_copy(pw0_v, acc.at[i0_v], add=True)

    tbase = e0 + _NFULL * _CH
    pltpu.sync_copy(dij_hbm.at[pl.ds(tbase, _CH_T)], dt_v)
    pltpu.sync_copy(ii_hbm.at[pl.ds(tbase, _CH_T)], it_v)
    pltpu.sync_copy(jj_hbm.at[pl.ds(tbase, _CH_T)], jt_v)
    _compute_chunk(qa_v, wt_v, dt_v, it_v, jt_v, pwt_v, _CH_T // _LANES)
    pltpu.sync_copy(pwt_v, acc.at[it_v], add=True)

    plsc.subcore_barrier()

    s0 = sid * _OUT_SLICE
    pltpu.sync_copy(acc.at[pl.ds(s0, _OUT_SLICE)],
                    out_hbm.at[cid, pl.ds(s0, _OUT_SLICE)])


def _real_space_sc(qa_pad, dij2d, ii2d, jj2d):
    zeros = jnp.zeros((_NP,), jnp.float32)
    wtab = _radial_weight_table()
    mesh = plsc.VectorSubcoreMesh(core_axis_name="c", subcore_axis_name="s")
    run = pl.kernel(
        _sc_body,
        out_type=jax.ShapeDtypeStruct((_NC, _NP), jnp.float32),
        mesh=mesh,
        compiler_params=pltpu.CompilerParams(
            needs_layout_passes=False, use_tc_tiling_on_sc=False),
        scratch_types=[
            pltpu.VMEM((_NP,), jnp.float32),
            pltpu.VMEM((_MTAB,), jnp.float32),
            pltpu.VMEM_SHARED((_NP,), jnp.float32),
            pltpu.VMEM((_CH,), jnp.float32),
            pltpu.VMEM((_CH,), jnp.int32),
            pltpu.VMEM((_CH,), jnp.int32),
            pltpu.VMEM((_CH,), jnp.float32),
            pltpu.VMEM((_CH,), jnp.int32),
            pltpu.VMEM((_CH,), jnp.int32),
            pltpu.VMEM((_CH,), jnp.float32),
            pltpu.VMEM((_CH,), jnp.float32),
            pltpu.VMEM((_CH_T,), jnp.float32),
            pltpu.VMEM((_CH_T,), jnp.int32),
            pltpu.VMEM((_CH_T,), jnp.int32),
            pltpu.VMEM((_CH_T,), jnp.float32),
            pltpu.SemaphoreType.DMA,
            pltpu.SemaphoreType.DMA,
            pltpu.SemaphoreType.DMA,
            pltpu.SemaphoreType.DMA,
        ],
    )
    return run(qa_pad, dij2d, ii2d, jj2d, zeros, wtab)



_DN_SEG = (((0,), (0,)), ((), ()))


def _moments_body(qa_ref, rx_ref, ry_ref, rz_ref, bs_ref, kcat_ref, mom_ref):
    pid = pl.program_id(0)
    qa = qa_ref[0, 0, :]
    rx = rx_ref[0, 0, :]
    ry = ry_ref[0, 0, :]
    rz = rz_ref[0, 0, :]
    bs = bs_ref[0, 0, :]
    oh = (bs[:, None] == lax.broadcasted_iota(jnp.int32, (_BA, _N_MOL), 1)
          ).astype(jnp.float32)
    hp = jax.lax.Precision.HIGHEST
    kat = jnp.dot(oh, kcat_ref[...], precision=hp)
    kdp = (kat[:, :_NK] * rx[:, None]
           + kat[:, _NK:2 * _NK] * ry[:, None]
           + kat[:, 2 * _NK:] * rz[:, None])
    qc = qa[:, None] * jnp.cos(kdp)
    qs = qa[:, None] * jnp.sin(kdp)
    aidx = pid * _BA + lax.broadcasted_iota(jnp.int32, (_BA,), 0)
    valid = (aidx < _N_ATOMS).astype(jnp.float32)
    mcols = jnp.stack(
        [qa * qa, qa * rx, qa * ry, qa * rz,
         valid, jnp.zeros_like(qa), jnp.zeros_like(qa), jnp.zeros_like(qa)],
        axis=1)
    rcat = jnp.concatenate([qc, qs, mcols], axis=1)
    mom_c = lax.dot_general(oh, rcat, _DN_SEG, precision=hp)

    @pl.when(pid == 0)
    def _():
        mom_ref[...] = jnp.zeros_like(mom_ref)

    mom_ref[...] += mom_c


def _recip_moments_tc(qa2d, rx2d, ry2d, rz2d, bs2d, kcat):
    blk = pl.BlockSpec((1, 1, _BA), lambda i: (i, 0, 0))
    ncols = 2 * _NK + 8
    mom = pl.pallas_call(
        _moments_body,
        grid=(_NBLK,),
        in_specs=[blk, blk, blk, blk, blk,
                  pl.BlockSpec((_N_MOL, 3 * _NK), lambda i: (0, 0))],
        out_specs=pl.BlockSpec((_N_MOL, ncols), lambda i: (0, 0)),
        out_shape=jax.ShapeDtypeStruct((_N_MOL, ncols), jnp.float32),
    )(qa2d, rx2d, ry2d, rz2d, bs2d, kcat)
    return mom[:, :_NK], mom[:, _NK:2 * _NK], mom[:, 2 * _NK:]


def _combine_body(p0_ref, p1_ref, bs_ref, er_ref, out_ref):
    bs = bs_ref[0, 0, :]
    oh = (bs[:, None] == lax.broadcasted_iota(jnp.int32, (_BA, _N_MOL), 1)
          ).astype(jnp.float32)
    er_at = jnp.dot(oh, er_ref[...], precision=jax.lax.Precision.HIGHEST)
    out_ref[0, 0, :] = p0_ref[0, 0, :] + p1_ref[0, 0, :] + er_at[:, 0]


def _combine_tc(p0, p1, bs2d, er_col):
    blk = pl.BlockSpec((1, 1, _BA), lambda i: (i, 0, 0))
    return pl.pallas_call(
        _combine_body,
        grid=(_NBLK,),
        in_specs=[blk, blk, blk, pl.BlockSpec((_N_MOL, 1), lambda i: (0, 0))],
        out_specs=blk,
        out_shape=jax.ShapeDtypeStruct((_NBLK, 1, _BA), jnp.float32),
    )(p0, p1, bs2d, er_col)



def kernel(Z, Dij, Qa, idx_i, idx_j, R, batch_seg, Cell):
    del Z
    f32 = jnp.float32

    qa_pad = jnp.pad(Qa, (0, _NP - _N_ATOMS))

    qa2d = qa_pad.reshape(_NBLK, 1, _BA)
    bs2d = jnp.pad(batch_seg, (0, _NP - _N_ATOMS)).reshape(_NBLK, 1, _BA)
    r_pad = jnp.pad(R, ((0, _NP - _N_ATOMS), (0, 0)))
    rx2d = r_pad[:, 0].reshape(_NBLK, 1, _BA)
    ry2d = r_pad[:, 1].reshape(_NBLK, 1, _BA)
    rz2d = r_pad[:, 2].reshape(_NBLK, 1, _BA)

    c = Cell
    cof00 = c[:, 1, 1] * c[:, 2, 2] - c[:, 1, 2] * c[:, 2, 1]
    cof01 = c[:, 1, 2] * c[:, 2, 0] - c[:, 1, 0] * c[:, 2, 2]
    cof02 = c[:, 1, 0] * c[:, 2, 1] - c[:, 1, 1] * c[:, 2, 0]
    det = (c[:, 0, 0] * cof00 + c[:, 0, 1] * cof01 + c[:, 0, 2] * cof02)
    cof10 = c[:, 0, 2] * c[:, 2, 1] - c[:, 0, 1] * c[:, 2, 2]
    cof11 = c[:, 0, 0] * c[:, 2, 2] - c[:, 0, 2] * c[:, 2, 0]
    cof12 = c[:, 0, 1] * c[:, 2, 0] - c[:, 0, 0] * c[:, 2, 1]
    cof20 = c[:, 0, 1] * c[:, 1, 2] - c[:, 0, 2] * c[:, 1, 1]
    cof21 = c[:, 0, 2] * c[:, 1, 0] - c[:, 0, 0] * c[:, 1, 2]
    cof22 = c[:, 0, 0] * c[:, 1, 1] - c[:, 0, 1] * c[:, 1, 0]
    adj = jnp.stack([
        jnp.stack([cof00, cof01, cof02], axis=-1),
        jnp.stack([cof10, cof11, cof12], axis=-1),
        jnp.stack([cof20, cof21, cof22], axis=-1),
    ], axis=-2)
    recip_box = (2.0 * jnp.pi) * adj / det[:, None, None]
    v_box = jnp.abs(det)
    prefactor = 2.0 * jnp.pi / v_box
    k = jnp.matmul(jnp.asarray(_KVECS), recip_box)
    k2 = jnp.sum(k * k, axis=-1)
    qg = jnp.exp(-0.25 * k2 / _ALPHA2)
    kcat = jnp.concatenate([k[..., 0], k[..., 1], k[..., 2]], axis=1)

    sc_out = _real_space_sc(qa_pad, Dij, idx_i, idx_j)
    q_real, q_imag, misc = _recip_moments_tc(qa2d, rx2d, ry2d, rz2d, bs2d,
                                             kcat.astype(f32))

    qa2_m = misc[:, 0]
    qar = misc[:, 1:4]
    na_m = misc[:, 4]
    q_dens = q_real ** 2 + q_imag ** 2
    e_rec = prefactor * jnp.sum(q_dens * qg / k2)
    e_rec = e_rec - _ALPHA * _ONE_OVER_SQRTPI * qa2_m
    e_rec = e_rec + prefactor / 3.0 * jnp.sum(qar * qar, axis=-1)
    er_col = (e_rec / na_m)[:, None].astype(f32)

    p0 = sc_out[0].reshape(_NBLK, 1, _BA)
    p1 = sc_out[1].reshape(_NBLK, 1, _BA)
    energy2d = _combine_tc(p0, p1, bs2d, er_col)
    energy = energy2d.reshape(_NP)[:_N_ATOMS]
    return (energy, Qa)

# --- scband reference (transcript-rebuilt; emitter-appended) ---
"""Pipeline reference for scband-ewald-3573412790709 (READ-ONLY COPY).

The authoritative reference and input builder live on the scoring server;
editing this copy changes nothing except your own understanding.
"""

import jax, jax.numpy as jnp
import numpy as np
import math, itertools

CUTOFF = 10.0
ON_CUT = 0.25 * CUTOFF
OFF_CUT = 0.75 * CUTOFF
ALPHA = 4.0 / CUTOFF + 0.001
ALPHA2 = ALPHA ** 2
ONE_OVER_SQRTPI = 1.0 / math.sqrt(math.pi)
NMAX = [2, 2, 2]
N_ATOMS = 100000
N_EDGES = 6400000
N_MOL = 64


def _make_kvecs():
    k = []
    for i in range(3):
        kk = [float(v) for v in range(NMAX[i] + 1)] + [float(-v) for v in range(1, NMAX[i] + 1)]
        k.append(kk)
    lk = list(itertools.product(k[0], k[1], k[2]))[1:]
    kvecs = np.array(lk, dtype=np.float32)
    kmax = max(NMAX)
    kvecs = kvecs[(kvecs ** 2).sum(-1) <= kmax ** 2]
    return jnp.asarray(kvecs)

KVECS = _make_kvecs()


def _switch_component(x, ones, zeros):
    x_ = jnp.where(x <= 0, ones, x)
    return jnp.where(x <= 0, zeros, jnp.exp(-ones / x_))


def _switch_function(x):
    x = (x - ON_CUT) / (OFF_CUT - ON_CUT)
    ones = jnp.ones_like(x)
    zeros = jnp.zeros_like(x)
    fp = _switch_component(x, ones, zeros)
    fm = _switch_component(1.0 - x, ones, zeros)
    return jnp.where(x <= 0, ones, jnp.where(x >= 1, zeros, fm / (fp + fm)))


def _real_space(Qa, Dij, idx_i, idx_j):
    fac = jnp.take(Qa, idx_i) * jnp.take(Qa, idx_j)
    f = _switch_function(Dij)
    coulomb = 1.0 / Dij
    damped = 1.0 / jnp.sqrt(Dij ** 2 + 1.0)
    pw = fac * (f * damped + (1.0 - f) * coulomb) * jax.scipy.special.erfc(ALPHA * Dij)
    return 0.5 * jax.ops.segment_sum(pw, idx_i, num_segments=N_ATOMS)


def _reciprocal_space(Qa, R, Cell, batch_seg):
    recip_box = 2.0 * jnp.pi * jnp.linalg.inv(Cell)
    recip_box = jnp.transpose(recip_box, (0, 2, 1))
    v_box = jnp.abs(jnp.linalg.det(Cell))
    prefactor = 2.0 * jnp.pi / v_box
    k = jnp.matmul(KVECS, recip_box)
    k2 = jnp.sum(k * k, axis=-1)
    qg = jnp.exp(-0.25 * k2 / ALPHA2)
    kk = jnp.take(k, batch_seg, axis=0)
    kk = jnp.transpose(kk, (1, 0, 2))
    kvec_dot_pos = jnp.sum(kk * R, axis=-1)
    q_real = Qa * jnp.cos(kvec_dot_pos)
    q_real = jax.ops.segment_sum(jnp.transpose(q_real), batch_seg, num_segments=N_MOL)
    q_imag = Qa * jnp.sin(kvec_dot_pos)
    q_imag = jax.ops.segment_sum(jnp.transpose(q_imag), batch_seg, num_segments=N_MOL)
    q_dens = q_real ** 2 + q_imag ** 2
    e_reciprocal = prefactor * jnp.sum(q_dens * qg / k2)
    Qa2 = jax.ops.segment_sum(Qa * Qa, batch_seg, num_segments=N_MOL)
    e_self = -ALPHA * ONE_OVER_SQRTPI * Qa2
    QaR = jax.ops.segment_sum(Qa[:, None] * R, batch_seg, num_segments=N_MOL)
    e_bc = prefactor / 3.0 * jnp.sum(QaR * QaR, axis=-1)
    e_reciprocal = e_reciprocal + e_self + e_bc
    Na_per_batch = jax.ops.segment_sum(jnp.ones_like(batch_seg, dtype=jnp.float32), batch_seg, num_segments=N_MOL)
    er = jnp.take(e_reciprocal, batch_seg) / jnp.take(Na_per_batch, batch_seg)
    return er


def setup_inputs(seed: int = 0):
    key = jax.random.key(seed)
    ks = jax.random.split(key, 8)
    Z = jax.random.randint(ks[0], (N_ATOMS,), 1, 100, dtype=jnp.int32)
    Dij = jax.random.uniform(ks[1], (N_EDGES,), dtype=jnp.float32) * 9.8 + 0.2
    Qa = jax.random.normal(ks[2], (N_ATOMS,), dtype=jnp.float32) * 0.1
    idx_i = jnp.sort(jax.random.randint(ks[3], (N_EDGES,), 0, N_ATOMS, dtype=jnp.int32))
    idx_j = jax.random.randint(ks[4], (N_EDGES,), 0, N_ATOMS, dtype=jnp.int32)
    R = jax.random.uniform(ks[5], (N_ATOMS, 3), dtype=jnp.float32) * 20.0
    batch_seg = jnp.sort(jax.random.randint(ks[6], (N_ATOMS,), 0, N_MOL, dtype=jnp.int32))
    cell_noise = jax.random.normal(ks[7], (N_MOL, 3, 3), dtype=jnp.float32) * 0.1
    Cell = jnp.eye(3, dtype=jnp.float32)[None, :, :] * 20.0 + cell_noise
    return {"Z": Z, "Dij": Dij, "Qa": Qa, "idx_i": idx_i, "idx_j": idx_j, "R": R, "batch_seg": batch_seg, "Cell": Cell}


def reference(Z, Dij, Qa, idx_i, idx_j, R, batch_seg, Cell):
    # use_scaled_charges=False, so Qa is used as-is
    e_real = _real_space(Qa, Dij, idx_i, idx_j)
    e_recip = _reciprocal_space(Qa, R, Cell, batch_seg)
    return (e_real + e_recip, Qa)

if __name__ == "__main__":
    import jax
    _d = setup_inputs()
    print(jax.jit(kernel)(*tuple(_d.values())))

</pallas_src>

<mosaic_0001>
#map = affine_map<(d0, d1) -> (0)>
#map1 = affine_map<(d0, d1) -> (0, 0)>
module attributes {stable_mosaic.version = 14 : i64} {
  func.func @_sc_body(%arg0: i32, %arg1: i32, %arg2: memref<100352xf32, #tpu.memory_space<hbm>>, %arg3: memref<6400000xf32, #tpu.memory_space<hbm>>, %arg4: memref<6400000xi32, #tpu.memory_space<hbm>>, %arg5: memref<6400000xi32, #tpu.memory_space<hbm>>, %arg6: memref<100352xf32, #tpu.memory_space<hbm>>, %arg7: memref<2048xf32, #tpu.memory_space<hbm>>, %arg8: memref<2x100352xf32, #tpu.memory_space<hbm>>, %arg9: memref<100352xf32, #tpu.memory_space<vmem>>, %arg10: memref<2048xf32, #tpu.memory_space<vmem>>, %arg11: memref<100352xf32, #tpu.memory_space<vmem_shared>>, %arg12: memref<2048xf32, #tpu.memory_space<vmem>>, %arg13: memref<2048xi32, #tpu.memory_space<vmem>>, %arg14: memref<2048xi32, #tpu.memory_space<vmem>>, %arg15: memref<2048xf32, #tpu.memory_space<vmem>>, %arg16: memref<2048xi32, #tpu.memory_space<vmem>>, %arg17: memref<2048xi32, #tpu.memory_space<vmem>>, %arg18: memref<2048xf32, #tpu.memory_space<vmem>>, %arg19: memref<2048xf32, #tpu.memory_space<vmem>>, %arg20: memref<1344xf32, #tpu.memory_space<vmem>>, %arg21: memref<1344xi32, #tpu.memory_space<vmem>>, %arg22: memref<1344xi32, #tpu.memory_space<vmem>>, %arg23: memref<1344xf32, #tpu.memory_space<vmem>>, %arg24: memref<!tpu.dma_semaphore, #tpu.memory_space<semaphore_mem>>, %arg25: memref<!tpu.dma_semaphore, #tpu.memory_space<semaphore_mem>>, %arg26: memref<!tpu.dma_semaphore, #tpu.memory_space<semaphore_mem>>, %arg27: memref<!tpu.dma_semaphore, #tpu.memory_space<semaphore_mem>>) attributes {dimension_semantics = [#tpu.dimension_semantics<core_parallel>, #tpu.dimension_semantics<subcore_parallel>], iteration_bounds = array<i64: 2, 16>, scalar_prefetch = 0 : i64, scratch_operands = 19 : i64, tpu.core_type = #tpu.core_type<sc_vector_subcore>, window_params = [{transform_indices = #map}, {transform_indices = #map}, {transform_indices = #map}, {transform_indices = #map}, {transform_indices = #map}, {transform_indices = #map}, {transform_indices = #map1}]} {
    %mul3A = arith.constant 2 : i32
    %mul3A_0 = arith.muli %arg1, %mul3A : i32
    %add3A = arith.addi %mul3A_0, %arg0 : i32
    "tpu.region"() ({
      %run_scoped3A = tpu.sem_alloc : memref<!tpu.dma_semaphore, #tpu.memory_space<semaphore_mem>>
      tpu.enqueue_dma source(%arg2 : memref<100352xf32, #tpu.memory_space<hbm>>) target(%arg9 : memref<100352xf32, #tpu.memory_space<vmem>>) target_semaphore(%run_scoped3A : memref<!tpu.dma_semaphore, #tpu.memory_space<semaphore_mem>>)
      tpu.wait_dma2 semaphore(%run_scoped3A : memref<!tpu.dma_semaphore, #tpu.memory_space<semaphore_mem>>) src(%arg2 : memref<100352xf32, #tpu.memory_space<hbm>>) dst(%arg9 : memref<100352xf32, #tpu.memory_space<vmem>>)
      tpu.yield
    }) : () -> ()
    "tpu.region"() ({
      %run_scoped3A = tpu.sem_alloc : memref<!tpu.dma_semaphore, #tpu.memory_space<semaphore_mem>>
      tpu.enqueue_dma source(%arg7 : memref<2048xf32, #tpu.memory_space<hbm>>) target(%arg10 : memref<2048xf32, #tpu.memory_space<vmem>>) target_semaphore(%run_scoped3A : memref<!tpu.dma_semaphore, #tpu.memory_space<semaphore_mem>>)
      tpu.wait_dma2 semaphore(%run_scoped3A : memref<!tpu.dma_semaphore, #tpu.memory_space<semaphore_mem>>) src(%arg7 : memref<2048xf32, #tpu.memory_space<hbm>>) dst(%arg10 : memref<2048xf32, #tpu.memory_space<vmem>>)
      tpu.yield
    }) : () -> ()
    %eq3A = arith.constant 0 : i32
    %eq3A_1 = arith.cmpi eq, %arg1, %eq3A : i32
    %convert_element_type3A = arith.extui %eq3A_1 : i1 to i32
    %cond3A = arith.constant 0 : i32
    %cond3A_2 = arith.cmpi ne, %convert_element_type3A, %cond3A : i32
    scf.if %cond3A_2 {
      "tpu.region"() ({
        %run_scoped3A = tpu.sem_alloc : memref<!tpu.dma_semaphore, #tpu.memory_space<semaphore_mem>>
        tpu.enqueue_dma source(%arg6 : memref<100352xf32, #tpu.memory_space<hbm>>) target(%arg11 : memref<100352xf32, #tpu.memory_space<vmem_shared>>) target_semaphore(%run_scoped3A : memref<!tpu.dma_semaphore, #tpu.memory_space<semaphore_mem>>)
        tpu.wait_dma2 semaphore(%run_scoped3A : memref<!tpu.dma_semaphore, #tpu.memory_space<semaphore_mem>>) src(%arg6 : memref<100352xf32, #tpu.memory_space<hbm>>) dst(%arg11 : memref<100352xf32, #tpu.memory_space<vmem_shared>>)
        tpu.yield
      }) : () -> ()
    } else {
    }
    %barrier3A = arith.constant 0 : index
    tpu.barrier barrier_id(%barrier3A)
    %mul3A_3 = arith.constant 200000 : i32
    %mul3A_4 = arith.muli %add3A, %mul3A_3 : i32
    %add3A_5 = arith.constant 0 : i32
    %add3A_6 = arith.addi %mul3A_4, %add3A_5 : i32
    %dma_start3A = tpu.memref_slice %arg3[%add3A_6] : memref<6400000xf32, #tpu.memory_space<hbm>> -> memref<2048xf32, #tpu.memory_space<hbm>>
    %dma_start3A_7 = tpu.memref_slice %arg3[%add3A_6] : memref<6400000xf32, #tpu.memory_space<hbm>> -> memref<2048xf32, #tpu.memory_space<hbm>>
    tpu.enqueue_dma source(%dma_start3A_7 : memref<2048xf32, #tpu.memory_space<hbm>>) target(%arg12 : memref<2048xf32, #tpu.memory_space<vmem>>) target_semaphore(%arg24 : memref<!tpu.dma_semaphore, #tpu.memory_space<semaphore_mem>>)
    %dma_start3A_8 = tpu.memref_slice %arg4[%add3A_6] : memref<6400000xi32, #tpu.memory_space<hbm>> -> memref<2048xi32, #tpu.memory_space<hbm>>
    %dma_start3A_9 = tpu.memref_slice %arg4[%add3A_6] : memref<6400000xi32, #tpu.memory_space<hbm>> -> memref<2048xi32, #tpu.memory_space<hbm>>
    tpu.enqueue_dma source(%dma_start3A_9 : memref<2048xi32, #tpu.memory_space<hbm>>) target(%arg13 : memref<2048xi32, #tpu.memory_space<vmem>>) target_semaphore(%arg24 : memref<!tpu.dma_semaphore, #tpu.memory_space<semaphore_mem>>)
    %dma_start3A_10 = tpu.memref_slice %arg5[%add3A_6] : memref<6400000xi32, #tpu.memory_space<hbm>> -> memref<2048xi32, #tpu.memory_space<hbm>>
    %dma_start3A_11 = tpu.memref_slice %arg5[%add3A_6] : memref<6400000xi32, #tpu.memory_space<hbm>> -> memref<2048xi32, #tpu.memory_space<hbm>>
    tpu.enqueue_dma source(%dma_start3A_11 : memref<2048xi32, #tpu.memory_space<hbm>>) target(%arg14 : memref<2048xi32, #tpu.memory_space<vmem>>) target_semaphore(%arg24 : memref<!tpu.dma_semaphore, #tpu.memory_space<semaphore_mem>>)
    %scan3A = arith.constant 0 : i32
    %scan3A_12 = arith.constant 0 : i32
    %scan3A_13 = arith.constant 48 : i32
    %scan3A_14 = arith.addi %scan3A_12, %scan3A_13 : i32
    %scan3A_15 = arith.constant 1 : i32
    scf.for %scan3A_46 = %scan3A_12 to %scan3A_14 step %scan3A_15  : i32 {
      %mul3A_47 = arith.constant 2 : i32
      %mul3A_48 = arith.muli %scan3A_46, %mul3A_47 : i32
      %gt3A = arith.constant 0 : i32
      %gt3A_49 = arith.cmpi sgt, %scan3A_46, %gt3A : i32
      %convert_element_type3A_50 = arith.extui %gt3A_49 : i1 to i32
      %cond3A_51 = arith.constant 0 : i32
      %cond3A_52 = arith.cmpi ne, %convert_element_type3A_50, %cond3A_51 : i32
      scf.if %cond3A_52 {
        %dma_wait3A_117 = arith.constant 0 : i32
        %dma_wait3A_118 = tpu.memref_slice %arg11[%dma_wait3A_117] : memref<100352xf32, #tpu.memory_space<vmem_shared>> -> memref<100352xf32, #tpu.memory_space<vmem_shared>>
        tpu.wait_indirect_dma semaphore(%arg27 : memref<!tpu.dma_semaphore, #tpu.memory_space<semaphore_mem>>) src(%arg19 : memref<2048xf32, #tpu.memory_space<vmem>>) dst(%dma_wait3A_118 : memref<100352xf32, #tpu.memory_space<vmem_shared>>)
      } else {
      }
      %add3A_53 = arith.constant 1 : i32
      %add3A_54 = arith.addi %mul3A_48, %add3A_53 : i32
      %mul3A_55 = arith.constant 2048 : i32
      %mul3A_56 = arith.muli %add3A_54, %mul3A_55 : i32
      %add3A_57 = arith.addi %mul3A_4, %mul3A_56 : i32
      %dma_start3A_58 = tpu.memref_slice %arg3[%add3A_57] : memref<6400000xf32, #tpu.memory_space<hbm>> -> memref<2048xf32, #tpu.memory_space<hbm>>
      %dma_start3A_59 = tpu.memref_slice %arg3[%add3A_57] : memref<6400000xf32, #tpu.memory_space<hbm>> -> memref<2048xf32, #tpu.memory_space<hbm>>
      tpu.enqueue_dma source(%dma_start3A_59 : memref<2048xf32, #tpu.memory_space<hbm>>) target(%arg15 : memref<2048xf32, #tpu.memory_space<vmem>>) target_semaphore(%arg25 : memref<!tpu.dma_semaphore, #tpu.memory_space<semaphore_mem>>)
      %dma_start3A_60 = tpu.memref_slice %arg4[%add3A_57] : memref<6400000xi32, #tpu.memory_space<hbm>> -> memref<2048xi32, #tpu.memory_space<hbm>>
      %dma_start3A_61 = tpu.memref_slice %arg4[%add3A_57] : memref<6400000xi32, #tpu.memory_space<hbm>> -> memref<2048xi32, #tpu.memory_space<hbm>>
      tpu.enqueue_dma source(%dma_start3A_61 : memref<2048xi32, #tpu.memory_space<hbm>>) target(%arg16 : memref<2048xi32, #tpu.memory_space<vmem>>) target_semaphore(%arg25 : memref<!tpu.dma_semaphore, #tpu.memory_space<semaphore_mem>>)
      %dma_start3A_62 = tpu.memref_slice %arg5[%add3A_57] : memref<6400000xi32, #tpu.memory_space<hbm>> -> memref<2048xi32, #tpu.memory_space<hbm>>
      %dma_start3A_63 = tpu.memref_slice %arg5[%add3A_57] : memref<6400000xi32, #tpu.memory_space<hbm>> -> memref<2048xi32, #tpu.memory_space<hbm>>
      tpu.enqueue_dma source(%dma_start3A_63 : memref<2048xi32, #tpu.memory_space<hbm>>) target(%arg17 : memref<2048xi32, #tpu.memory_space<vmem>>) target_semaphore(%arg25 : memref<!tpu.dma_semaphore, #tpu.memory_space<semaphore_mem>>)
      %dma_wait3A_64 = arith.constant 0 : i32
      %dma_wait3A_65 = tpu.memref_slice %arg3[%dma_wait3A_64] : memref<6400000xf32, #tpu.memory_space<hbm>> -> memref<2048xf32, #tpu.memory_space<hbm>>
      %dma_wait3A_66 = arith.constant 0 : i32
      %dma_wait3A_67 = tpu.memref_slice %arg3[%dma_wait3A_66] : memref<6400000xf32, #tpu.memory_space<hbm>> -> memref<2048xf32, #tpu.memory_space<hbm>>
      tpu.wait_dma2 semaphore(%arg24 : memref<!tpu.dma_semaphore, #tpu.memory_space<semaphore_mem>>) src(%dma_wait3A_67 : memref<2048xf32, #tpu.memory_space<hbm>>) dst(%arg12 : memref<2048xf32, #tpu.memory_space<vmem>>)
      %dma_wait3A_68 = arith.constant 0 : i32
      %dma_wait3A_69 = tpu.memref_slice %arg4[%dma_wait3A_68] : memref<6400000xi32, #tpu.memory_space<hbm>> -> memref<2048xi32, #tpu.memory_space<hbm>>
      %dma_wait3A_70 = arith.constant 0 : i32
      %dma_wait3A_71 = tpu.memref_slice %arg4[%dma_wait3A_70] : memref<6400000xi32, #tpu.memory_space<hbm>> -> memref<2048xi32, #tpu.memory_space<hbm>>
      tpu.wait_dma2 semaphore(%arg24 : memref<!tpu.dma_semaphore, #tpu.memory_space<semaphore_mem>>) src(%dma_wait3A_71 : memref<2048xi32, #tpu.memory_space<hbm>>) dst(%arg13 : memref<2048xi32, #tpu.memory_space<vmem>>)
      %dma_wait3A_72 = arith.constant 0 : i32
      %dma_wait3A_73 = tpu.memref_slice %arg5[%dma_wait3A_72] : memref<6400000xi32, #tpu.memory_space<hbm>> -> memref<2048xi32, #tpu.memory_space<hbm>>
      %dma_wait3A_74 = arith.constant 0 : i32
      %dma_wait3A_75 = tpu.memref_slice %arg5[%dma_wait3A_74] : memref<6400000xi32, #tpu.memory_space<hbm>> -> memref<2048xi32, #tpu.memory_space<hbm>>
      tpu.wait_dma2 semaphore(%arg24 : memref<!tpu.dma_semaphore, #tpu.memory_space<semaphore_mem>>) src(%dma_wait3A_75 : memref<2048xi32, #tpu.memory_space<hbm>>) dst(%arg14 : memref<2048xi32, #tpu.memory_space<vmem>>)
      %parallel_loop3A_76 = arith.constant 0 : i32
      %parallel_loop3A_77 = arith.constant 2048 : i32
      %parallel_loop3A_78 = arith.constant 16 : i32
      %parallel_loop3A_79 = arith.constant 2.000000e-01 : f32
      %parallel_loop3A_80 = arith.constant 208.877548 : f32
      %parallel_loop3A_81 = arith.constant 2046 : i32
      scf.for %parallel_loop3A_117 = %parallel_loop3A_76 to %parallel_loop3A_77 step %parallel_loop3A_78  : i32 {
        %parallel_loop3A_118 = arith.index_cast %parallel_loop3A_117 : i32 to index
        %parallel_loop3A_119 = tpu.vector_load %arg13[%parallel_loop3A_118] {strides = array<i32>} : memref<2048xi32, #tpu.memory_space<vmem>>, vector<16xi32>,
        %parallel_loop3A_120 = arith.index_cast %parallel_loop3A_117 : i32 to index
        %parallel_loop3A_121 = tpu.vector_load %arg14[%parallel_loop3A_120] {strides = array<i32>} : memref<2048xi32, #tpu.memory_space<vmem>>, vector<16xi32>,
        %parallel_loop3A_122 = arith.index_cast %parallel_loop3A_117 : i32 to index
        %parallel_loop3A_123 = tpu.vector_load %arg12[%parallel_loop3A_122] {strides = array<i32>} : memref<2048xf32, #tpu.memory_space<vmem>>, vector<16xf32>,
        %parallel_loop3A_124 = tpu.vector_load_idx %arg9[%parallel_loop3A_119] : memref<100352xf32, #tpu.memory_space<vmem>>[vector<16xi32>], vector<16xf32>,
        %parallel_loop3A_125 = tpu.vector_load_idx %arg9[%parallel_loop3A_121] : memref<100352xf32, #tpu.memory_space<vmem>>[vector<16xi32>], vector<16xf32>,
        %parallel_loop3A_126 = vector.broadcast %parallel_loop3A_79 : f32 to vector<16xf32>
        %parallel_loop3A_127 = arith.subf %parallel_loop3A_123, %parallel_loop3A_126 : vector<16xf32>
        %parallel_loop3A_128 = vector.broadcast %parallel_loop3A_80 : f32 to vector<16xf32>
        %parallel_loop3A_129 = arith.mulf %parallel_loop3A_127, %parallel_loop3A_128 : vector<16xf32>
        %parallel_loop3A_130 = arith.fptosi %parallel_loop3A_129 : vector<16xf32> to vector<16xi32>
        %parallel_loop3A_131 = vector.broadcast %parallel_loop3A_81 : i32 to vector<16xi32>
        %parallel_loop3A_132 = arith.minsi %parallel_loop3A_130, %parallel_loop3A_131 : vector<16xi32>
        %parallel_loop3A_133 = arith.sitofp %parallel_loop3A_132 : vector<16xi32> to vector<16xf32>
        %parallel_loop3A_134 = arith.subf %parallel_loop3A_129, %parallel_loop3A_133 : vector<16xf32>
        %parallel_loop3A_135 = tpu.vector_load_idx %arg10[%parallel_loop3A_132] : memref<2048xf32, #tpu.memory_space<vmem>>[vector<16xi32>], vector<16xf32>,
        %parallel_loop3A_136 = arith.constant 1 : i32
        %parallel_loop3A_137 = vector.broadcast %parallel_loop3A_136 : i32 to vector<16xi32>
        %parallel_loop3A_138 = arith.addi %parallel_loop3A_132, %parallel_loop3A_137 : vector<16xi32>
        %parallel_loop3A_139 = tpu.vector_load_idx %arg10[%parallel_loop3A_138] : memref<2048xf32, #tpu.memory_space<vmem>>[vector<16xi32>], vector<16xf32>,
        %parallel_loop3A_140 = arith.subf %parallel_loop3A_139, %parallel_loop3A_135 : vector<16xf32>
        %parallel_loop3A_141 = arith.mulf %parallel_loop3A_134, %parallel_loop3A_140 : vector<16xf32>
        %parallel_loop3A_142 = arith.addf %parallel_loop3A_135, %parallel_loop3A_141 : vector<16xf32>
        %parallel_loop3A_143 = arith.mulf %parallel_loop3A_124, %parallel_loop3A_125 : vector<16xf32>
        %parallel_loop3A_144 = arith.mulf %parallel_loop3A_143, %parallel_loop3A_142 : vector<16xf32>
        %parallel_loop3A_145 = arith.index_cast %parallel_loop3A_117 : i32 to index
        %parallel_loop3A_146 = tpu.vector_load %arg18[%parallel_loop3A_145] {strides = array<i32>} : memref<2048xf32, #tpu.memory_space<vmem>>, vector<16xf32>,
        tpu.vector_store %arg18[%parallel_loop3A_145], %parallel_loop3A_144 {strides = array<i32>} : memref<2048xf32, #tpu.memory_space<vmem>>, vector<16xf32>,
      } {sc.loop_unroll_factor = 4 : i64, sc.parallel_access}
      %dma_start3A_82 = arith.constant 0 : i32
      %dma_start3A_83 = tpu.memref_slice %arg11[%dma_start3A_82] : memref<100352xf32, #tpu.memory_space<vmem_shared>> -> memref<100352xf32, #tpu.memory_space<vmem_shared>>
      tpu.enqueue_indirect_dma source(%arg18 : memref<2048xf32, #tpu.memory_space<vmem>>) target(%dma_start3A_83 : memref<100352xf32, #tpu.memory_space<vmem_shared>>) offsets(%arg13 : memref<2048xi32, #tpu.memory_space<vmem>>) semaphore(%arg26 : memref<!tpu.dma_semaphore, #tpu.memory_space<semaphore_mem>>) {add = true}
      %dma_wait3A_84 = arith.constant 0 : i32
      %dma_wait3A_85 = tpu.memref_slice %arg11[%dma_wait3A_84] : memref<100352xf32, #tpu.memory_space<vmem_shared>> -> memref<100352xf32, #tpu.memory_space<vmem_shared>>
      tpu.wait_indirect_dma semaphore(%arg26 : memref<!tpu.dma_semaphore, #tpu.memory_space<semaphore_mem>>) src(%arg18 : memref<2048xf32, #tpu.memory_space<vmem>>) dst(%dma_wait3A_85 : memref<100352xf32, #tpu.memory_space<vmem_shared>>)
      %add3A_86 = arith.constant 2 : i32
      %add3A_87 = arith.addi %mul3A_48, %add3A_86 : i32
      %mul3A_88 = arith.constant 2048 : i32
      %mul3A_89 = arith.muli %add3A_87, %mul3A_88 : i32
      %add3A_90 = arith.addi %mul3A_4, %mul3A_89 : i32
      %dma_start3A_91 = tpu.memref_slice %arg3[%add3A_90] : memref<6400000xf32, #tpu.memory_space<hbm>> -> memref<2048xf32, #tpu.memory_space<hbm>>
      %dma_start3A_92 = tpu.memref_slice %arg3[%add3A_90] : memref<6400000xf32, #tpu.memory_space<hbm>> -> memref<2048xf32, #tpu.memory_space<hbm>>
      tpu.enqueue_dma source(%dma_start3A_92 : memref<2048xf32, #tpu.memory_space<hbm>>) target(%arg12 : memref<2048xf32, #tpu.memory_space<vmem>>) target_semaphore(%arg24 : memref<!tpu.dma_semaphore, #tpu.memory_space<semaphore_mem>>)
      %dma_start3A_93 = tpu.memref_slice %arg4[%add3A_90] : memref<6400000xi32, #tpu.memory_space<hbm>> -> memref<2048xi32, #tpu.memory_space<hbm>>
      %dma_start3A_94 = tpu.memref_slice %arg4[%add3A_90] : memref<6400000xi32, #tpu.memory_space<hbm>> -> memref<2048xi32, #tpu.memory_space<hbm>>
      tpu.enqueue_dma source(%dma_start3A_94 : memref<2048xi32, #tpu.memory_space<hbm>>) target(%arg13 : memref<2048xi32, #tpu.memory_space<vmem>>) target_semaphore(%arg24 : memref<!tpu.dma_semaphore, #tpu.memory_space<semaphore_mem>>)
      %dma_start3A_95 = tpu.memref_slice %arg5[%add3A_90] : memref<6400000xi32, #tpu.memory_space<hbm>> -> memref<2048xi32, #tpu.memory_space<hbm>>
      %dma_start3A_96 = tpu.memref_slice %arg5[%add3A_90] : memref<6400000xi32, #tpu.memory_space<hbm>> -> memref<2048xi32, #tpu.memory_space<hbm>>
      tpu.enqueue_dma source(%dma_start3A_96 : memref<2048xi32, #tpu.memory_space<hbm>>) target(%arg14 : memref<2048xi32, #tpu.memory_space<vmem>>) target_semaphore(%arg24 : memref<!tpu.dma_semaphore, #tpu.memory_space<semaphore_mem>>)
      %dma_wait3A_97 = arith.constant 0 : i32
      %dma_wait3A_98 = tpu.memref_slice %arg3[%dma_wait3A_97] : memref<6400000xf32, #tpu.memory_space<hbm>> -> memref<2048xf32, #tpu.memory_space<hbm>>
      %dma_wait3A_99 = arith.constant 0 : i32
      %dma_wait3A_100 = tpu.memref_slice %arg3[%dma_wait3A_99] : memref<6400000xf32, #tpu.memory_space<hbm>> -> memref<2048xf32, #tpu.memory_space<hbm>>
      tpu.wait_dma2 semaphore(%arg25 : memref<!tpu.dma_semaphore, #tpu.memory_space<semaphore_mem>>) src(%dma_wait3A_100 : memref<2048xf32, #tpu.memory_space<hbm>>) dst(%arg15 : memref<2048xf32, #tpu.memory_space<vmem>>)
      %dma_wait3A_101 = arith.constant 0 : i32
      %dma_wait3A_102 = tpu.memref_slice %arg4[%dma_wait3A_101] : memref<6400000xi32, #tpu.memory_space<hbm>> -> memref<2048xi32, #tpu.memory_space<hbm>>
      %dma_wait3A_103 = arith.constant 0 : i32
      %dma_wait3A_104 = tpu.memref_slice %arg4[%dma_wait3A_103] : memref<6400000xi32, #tpu.memory_space<hbm>> -> memref<2048xi32, #tpu.memory_space<hbm>>
      tpu.wait_dma2 semaphore(%arg25 : memref<!tpu.dma_semaphore, #tpu.memory_space<semaphore_mem>>) src(%dma_wait3A_104 : memref<2048xi32, #tpu.memory_space<hbm>>) dst(%arg16 : memref<2048xi32, #tpu.memory_space<vmem>>)
      %dma_wait3A_105 = arith.constant 0 : i32
      %dma_wait3A_106 = tpu.memref_slice %arg5[%dma_wait3A_105] : memref<6400000xi32, #tpu.memory_space<hbm>> -> memref<2048xi32, #tpu.memory_space<hbm>>
      %dma_wait3A_107 = arith.constant 0 : i32
      %dma_wait3A_108 = tpu.memref_slice %arg5[%dma_wait3A_107] : memref<6400000xi32, #tpu.memory_space<hbm>> -> memref<2048xi32, #tpu.memory_space<hbm>>
      tpu.wait_dma2 semaphore(%arg25 : memref<!tpu.dma_semaphore, #tpu.memory_space<semaphore_mem>>) src(%dma_wait3A_108 : memref<2048xi32, #tpu.memory_space<hbm>>) dst(%arg17 : memref<2048xi32, #tpu.memory_space<vmem>>)
      %parallel_loop3A_109 = arith.constant 0 : i32
      %parallel_loop3A_110 = arith.constant 2048 : i32
      %parallel_loop3A_111 = arith.constant 16 : i32
      %parallel_loop3A_112 = arith.constant 2.000000e-01 : f32
      %parallel_loop3A_113 = arith.constant 208.877548 : f32
      %parallel_loop3A_114 = arith.constant 2046 : i32
      scf.for %parallel_loop3A_117 = %parallel_loop3A_109 to %parallel_loop3A_110 step %parallel_loop3A_111  : i32 {
        %parallel_loop3A_118 = arith.index_cast %parallel_loop3A_117 : i32 to index
        %parallel_loop3A_119 = tpu.vector_load %arg16[%parallel_loop3A_118] {strides = array<i32>} : memref<2048xi32, #tpu.memory_space<vmem>>, vector<16xi32>,
        %parallel_loop3A_120 = arith.index_cast %parallel_loop3A_117 : i32 to index
        %parallel_loop3A_121 = tpu.vector_load %arg17[%parallel_loop3A_120] {strides = array<i32>} : memref<2048xi32, #tpu.memory_space<vmem>>, vector<16xi32>,
        %parallel_loop3A_122 = arith.index_cast %parallel_loop3A_117 : i32 to index
        %parallel_loop3A_123 = tpu.vector_load %arg15[%parallel_loop3A_122] {strides = array<i32>} : memref<2048xf32, #tpu.memory_space<vmem>>, vector<16xf32>,
        %parallel_loop3A_124 = tpu.vector_load_idx %arg9[%parallel_loop3A_119] : memref<100352xf32, #tpu.memory_space<vmem>>[vector<16xi32>], vector<16xf32>,
        %parallel_loop3A_125 = tpu.vector_load_idx %arg9[%parallel_loop3A_121] : memref<100352xf32, #tpu.memory_space<vmem>>[vector<16xi32>], vector<16xf32>,
        %parallel_loop3A_126 = vector.broadcast %parallel_loop3A_112 : f32 to vector<16xf32>
        %parallel_loop3A_127 = arith.subf %parallel_loop3A_123, %parallel_loop3A_126 : vector<16xf32>
        %parallel_loop3A_128 = vector.broadcast %parallel_loop3A_113 : f32 to vector<16xf32>
        %parallel_loop3A_129 = arith.mulf %parallel_loop3A_127, %parallel_loop3A_128 : vector<16xf32>
        %parallel_loop3A_130 = arith.fptosi %parallel_loop3A_129 : vector<16xf32> to vector<16xi32>
        %parallel_loop3A_131 = vector.broadcast %parallel_loop3A_114 : i32 to vector<16xi32>
        %parallel_loop3A_132 = arith.minsi %parallel_loop3A_130, %parallel_loop3A_131 : vector<16xi32>
        %parallel_loop3A_133 = arith.sitofp %parallel_loop3A_132 : vector<16xi32> to vector<16xf32>
        %parallel_loop3A_134 = arith.subf %parallel_loop3A_129, %parallel_loop3A_133 : vector<16xf32>
        %parallel_loop3A_135 = tpu.vector_load_idx %arg10[%parallel_loop3A_132] : memref<2048xf32, #tpu.memory_space<vmem>>[vector<16xi32>], vector<16xf32>,
        %parallel_loop3A_136 = arith.constant 1 : i32
        %parallel_loop3A_137 = vector.broadcast %parallel_loop3A_136 : i32 to vector<16xi32>
        %parallel_loop3A_138 = arith.addi %parallel_loop3A_132, %parallel_loop3A_137 : vector<16xi32>
        %parallel_loop3A_139 = tpu.vector_load_idx %arg10[%parallel_loop3A_138] : memref<2048xf32, #tpu.memory_space<vmem>>[vector<16xi32>], vector<16xf32>,
        %parallel_loop3A_140 = arith.subf %parallel_loop3A_139, %parallel_loop3A_135 : vector<16xf32>
        %parallel_loop3A_141 = arith.mulf %parallel_loop3A_134, %parallel_loop3A_140 : vector<16xf32>
        %parallel_loop3A_142 = arith.addf %parallel_loop3A_135, %parallel_loop3A_141 : vector<16xf32>
        %parallel_loop3A_143 = arith.mulf %parallel_loop3A_124, %parallel_loop3A_125 : vector<16xf32>
        %parallel_loop3A_144 = arith.mulf %parallel_loop3A_143, %parallel_loop3A_142 : vector<16xf32>
        %parallel_loop3A_145 = arith.index_cast %parallel_loop3A_117 : i32 to index
        %parallel_loop3A_146 = tpu.vector_load %arg19[%parallel_loop3A_145] {strides = array<i32>} : memref<2048xf32, #tpu.memory_space<vmem>>, vector<16xf32>,
        tpu.vector_store %arg19[%parallel_loop3A_145], %parallel_loop3A_144 {strides = array<i32>} : memref<2048xf32, #tpu.memory_space<vmem>>, vector<16xf32>,
      } {sc.loop_unroll_factor = 4 : i64, sc.parallel_access}
      %dma_start3A_115 = arith.constant 0 : i32
      %dma_start3A_116 = tpu.memref_slice %arg11[%dma_start3A_115] : memref<100352xf32, #tpu.memory_space<vmem_shared>> -> memref<100352xf32, #tpu.memory_space<vmem_shared>>
      tpu.enqueue_indirect_dma source(%arg19 : memref<2048xf32, #tpu.memory_space<vmem>>) target(%dma_start3A_116 : memref<100352xf32, #tpu.memory_space<vmem_shared>>) offsets(%arg16 : memref<2048xi32, #tpu.memory_space<vmem>>) semaphore(%arg27 : memref<!tpu.dma_semaphore, #tpu.memory_space<semaphore_mem>>) {add = true}
    }
    %scan3A_16 = arith.constant 48 : i32
    %dma_wait3A = arith.constant 0 : i32
    %dma_wait3A_17 = tpu.memref_slice %arg11[%dma_wait3A] : memref<100352xf32, #tpu.memory_space<vmem_shared>> -> memref<100352xf32, #tpu.memory_space<vmem_shared>>
    tpu.wait_indirect_dma semaphore(%arg27 : memref<!tpu.dma_semaphore, #tpu.memory_space<semaphore_mem>>) src(%arg19 : memref<2048xf32, #tpu.memory_space<vmem>>) dst(%dma_wait3A_17 : memref<100352xf32, #tpu.memory_space<vmem_shared>>)
    %dma_wait3A_18 = arith.constant 0 : i32
    %dma_wait3A_19 = tpu.memref_slice %arg3[%dma_wait3A_18] : memref<6400000xf32, #tpu.memory_space<hbm>> -> memref<2048xf32, #tpu.memory_space<hbm>>
    %dma_wait3A_20 = arith.constant 0 : i32
    %dma_wait3A_21 = tpu.memref_slice %arg3[%dma_wait3A_20] : memref<6400000xf32, #tpu.memory_space<hbm>> -> memref<2048xf32, #tpu.memory_space<hbm>>
    tpu.wait_dma2 semaphore(%arg24 : memref<!tpu.dma_semaphore, #tpu.memory_space<semaphore_mem>>) src(%dma_wait3A_21 : memref<2048xf32, #tpu.memory_space<hbm>>) dst(%arg12 : memref<2048xf32, #tpu.memory_space<vmem>>)
    %dma_wait3A_22 = arith.constant 0 : i32
    %dma_wait3A_23 = tpu.memref_slice %arg4[%dma_wait3A_22] : memref<6400000xi32, #tpu.memory_space<hbm>> -> memref<2048xi32, #tpu.memory_space<hbm>>
    %dma_wait3A_24 = arith.constant 0 : i32
    %dma_wait3A_25 = tpu.memref_slice %arg4[%dma_wait3A_24] : memref<6400000xi32, #tpu.memory_space<hbm>> -> memref<2048xi32, #tpu.memory_space<hbm>>
    tpu.wait_dma2 semaphore(%arg24 : memref<!tpu.dma_semaphore, #tpu.memory_space<semaphore_mem>>) src(%dma_wait3A_25 : memref<2048xi32, #tpu.memory_space<hbm>>) dst(%arg13 : memref<2048xi32, #tpu.memory_space<vmem>>)
    %dma_wait3A_26 = arith.constant 0 : i32
    %dma_wait3A_27 = tpu.memref_slice %arg5[%dma_wait3A_26] : memref<6400000xi32, #tpu.memory_space<hbm>> -> memref<2048xi32, #tpu.memory_space<hbm>>
    %dma_wait3A_28 = arith.constant 0 : i32
    %dma_wait3A_29 = tpu.memref_slice %arg5[%dma_wait3A_28] : memref<6400000xi32, #tpu.memory_space<hbm>> -> memref<2048xi32, #tpu.memory_space<hbm>>
    tpu.wait_dma2 semaphore(%arg24 : memref<!tpu.dma_semaphore, #tpu.memory_space<semaphore_mem>>) src(%dma_wait3A_29 : memref<2048xi32, #tpu.memory_space<hbm>>) dst(%arg14 : memref<2048xi32, #tpu.memory_space<vmem>>)
    %parallel_loop3A = arith.constant 0 : i32
    %parallel_loop3A_30 = arith.constant 2048 : i32
    %parallel_loop3A_31 = arith.constant 16 : i32
    %parallel_loop3A_32 = arith.constant 2.000000e-01 : f32
    %parallel_loop3A_33 = arith.constant 208.877548 : f32
    %parallel_loop3A_34 = arith.constant 2046 : i32
    scf.for %parallel_loop3A_46 = %parallel_loop3A to %parallel_loop3A_30 step %parallel_loop3A_31  : i32 {
      %parallel_loop3A_47 = arith.index_cast %parallel_loop3A_46 : i32 to index
      %parallel_loop3A_48 = tpu.vector_load %arg13[%parallel_loop3A_47] {strides = array<i32>} : memref<2048xi32, #tpu.memory_space<vmem>>, vector<16xi32>,
      %parallel_loop3A_49 = arith.index_cast %parallel_loop3A_46 : i32 to index
      %parallel_loop3A_50 = tpu.vector_load %arg14[%parallel_loop3A_49] {strides = array<i32>} : memref<2048xi32, #tpu.memory_space<vmem>>, vector<16xi32>,
      %parallel_loop3A_51 = arith.index_cast %parallel_loop3A_46 : i32 to index
      %parallel_loop3A_52 = tpu.vector_load %arg12[%parallel_loop3A_51] {strides = array<i32>} : memref<2048xf32, #tpu.memory_space<vmem>>, vector<16xf32>,
      %parallel_loop3A_53 = tpu.vector_load_idx %arg9[%parallel_loop3A_48] : memref<100352xf32, #tpu.memory_space<vmem>>[vector<16xi32>], vector<16xf32>,
      %parallel_loop3A_54 = tpu.vector_load_idx %arg9[%parallel_loop3A_50] : memref<100352xf32, #tpu.memory_space<vmem>>[vector<16xi32>], vector<16xf32>,
      %parallel_loop3A_55 = vector.broadcast %parallel_loop3A_32 : f32 to vector<16xf32>
      %parallel_loop3A_56 = arith.subf %parallel_loop3A_52, %parallel_loop3A_55 : vector<16xf32>
      %parallel_loop3A_57 = vector.broadcast %parallel_loop3A_33 : f32 to vector<16xf32>
      %parallel_loop3A_58 = arith.mulf %parallel_loop3A_56, %parallel_loop3A_57 : vector<16xf32>
      %parallel_loop3A_59 = arith.fptosi %parallel_loop3A_58 : vector<16xf32> to vector<16xi32>
      %parallel_loop3A_60 = vector.broadcast %parallel_loop3A_34 : i32 to vector<16xi32>
      %parallel_loop3A_61 = arith.minsi %parallel_loop3A_59, %parallel_loop3A_60 : vector<16xi32>
      %parallel_loop3A_62 = arith.sitofp %parallel_loop3A_61 : vector<16xi32> to vector<16xf32>
      %parallel_loop3A_63 = arith.subf %parallel_loop3A_58, %parallel_loop3A_62 : vector<16xf32>
      %parallel_loop3A_64 = tpu.vector_load_idx %arg10[%parallel_loop3A_61] : memref<2048xf32, #tpu.memory_space<vmem>>[vector<16xi32>], vector<16xf32>,
      %parallel_loop3A_65 = arith.constant 1 : i32
      %parallel_loop3A_66 = vector.broadcast %parallel_loop3A_65 : i32 to vector<16xi32>
      %parallel_loop3A_67 = arith.addi %parallel_loop3A_61, %parallel_loop3A_66 : vector<16xi32>
      %parallel_loop3A_68 = tpu.vector_load_idx %arg10[%parallel_loop3A_67] : memref<2048xf32, #tpu.memory_space<vmem>>[vector<16xi32>], vector<16xf32>,
      %parallel_loop3A_69 = arith.subf %parallel_loop3A_68, %parallel_loop3A_64 : vector<16xf32>
      %parallel_loop3A_70 = arith.mulf %parallel_loop3A_63, %parallel_loop3A_69 : vector<16xf32>
      %parallel_loop3A_71 = arith.addf %parallel_loop3A_64, %parallel_loop3A_70 : vector<16xf32>
      %parallel_loop3A_72 = arith.mulf %parallel_loop3A_53, %parallel_loop3A_54 : vector<16xf32>
      %parallel_loop3A_73 = arith.mulf %parallel_loop3A_72, %parallel_loop3A_71 : vector<16xf32>
      %parallel_loop3A_74 = arith.index_cast %parallel_loop3A_46 : i32 to index
      %parallel_loop3A_75 = tpu.vector_load %arg18[%parallel_loop3A_74] {strides = array<i32>} : memref<2048xf32, #tpu.memory_space<vmem>>, vector<16xf32>,
      tpu.vector_store %arg18[%parallel_loop3A_74], %parallel_loop3A_73 {strides = array<i32>} : memref<2048xf32, #tpu.memory_space<vmem>>, vector<16xf32>,
    } {sc.loop_unroll_factor = 4 : i64, sc.parallel_access}
    "tpu.region"() ({
      %run_scoped3A = tpu.sem_alloc : memref<!tpu.dma_semaphore, #tpu.memory_space<semaphore_mem>>
      %dma_start3A_46 = arith.constant 0 : i32
      %dma_start3A_47 = tpu.memref_slice %arg11[%dma_start3A_46] : memref<100352xf32, #tpu.memory_space<vmem_shared>> -> memref<100352xf32, #tpu.memory_space<vmem_shared>>
      tpu.enqueue_indirect_dma source(%arg18 : memref<2048xf32, #tpu.memory_space<vmem>>) target(%dma_start3A_47 : memref<100352xf32, #tpu.memory_space<vmem_shared>>) offsets(%arg13 : memref<2048xi32, #tpu.memory_space<vmem>>) semaphore(%run_scoped3A : memref<!tpu.dma_semaphore, #tpu.memory_space<semaphore_mem>>) {add = true}
      %dma_wait3A_48 = arith.constant 0 : i32
      %dma_wait3A_49 = tpu.memref_slice %arg11[%dma_wait3A_48] : memref<100352xf32, #tpu.memory_space<vmem_shared>> -> memref<100352xf32, #tpu.memory_space<vmem_shared>>
      tpu.wait_indirect_dma semaphore(%run_scoped3A : memref<!tpu.dma_semaphore, #tpu.memory_space<semaphore_mem>>) src(%arg18 : memref<2048xf32, #tpu.memory_space<vmem>>) dst(%dma_wait3A_49 : memref<100352xf32, #tpu.memory_space<vmem_shared>>)
      tpu.yield
    }) : () -> ()
    %add3A_35 = arith.constant 198656 : i32
    %add3A_36 = arith.addi %mul3A_4, %add3A_35 : i32
    "tpu.region"() ({
      %run_scoped3A = tpu.sem_alloc : memref<!tpu.dma_semaphore, #tpu.memory_space<semaphore_mem>>
      %dma_start3A_46 = tpu.memref_slice %arg3[%add3A_36] : memref<6400000xf32, #tpu.memory_space<hbm>> -> memref<1344xf32, #tpu.memory_space<hbm>>
      %dma_start3A_47 = tpu.memref_slice %arg3[%add3A_36] : memref<6400000xf32, #tpu.memory_space<hbm>> -> memref<1344xf32, #tpu.memory_space<hbm>>
      tpu.enqueue_dma source(%dma_start3A_47 : memref<1344xf32, #tpu.memory_space<hbm>>) target(%arg20 : memref<1344xf32, #tpu.memory_space<vmem>>) target_semaphore(%run_scoped3A : memref<!tpu.dma_semaphore, #tpu.memory_space<semaphore_mem>>)
      %dma_wait3A_48 = tpu.memref_slice %arg3[%add3A_36] : memref<6400000xf32, #tpu.memory_space<hbm>> -> memref<1344xf32, #tpu.memory_space<hbm>>
      %dma_wait3A_49 = tpu.memref_slice %arg3[%add3A_36] : memref<6400000xf32, #tpu.memory_space<hbm>> -> memref<1344xf32, #tpu.memory_space<hbm>>
      tpu.wait_dma2 semaphore(%run_scoped3A : memref<!tpu.dma_semaphore, #tpu.memory_space<semaphore_mem>>) src(%dma_wait3A_49 : memref<1344xf32, #tpu.memory_space<hbm>>) dst(%arg20 : memref<1344xf32, #tpu.memory_space<vmem>>)
      tpu.yield
    }) : () -> ()
    "tpu.region"() ({
      %run_scoped3A = tpu.sem_alloc : memref<!tpu.dma_semaphore, #tpu.memory_space<semaphore_mem>>
      %dma_start3A_46 = tpu.memref_slice %arg4[%add3A_36] : memref<6400000xi32, #tpu.memory_space<hbm>> -> memref<1344xi32, #tpu.memory_space<hbm>>
      %dma_start3A_47 = tpu.memref_slice %arg4[%add3A_36] : memref<6400000xi32, #tpu.memory_space<hbm>> -> memref<1344xi32, #tpu.memory_space<hbm>>
      tpu.enqueue_dma source(%dma_start3A_47 : memref<1344xi32, #tpu.memory_space<hbm>>) target(%arg21 : memref<1344xi32, #tpu.memory_space<vmem>>) target_semaphore(%run_scoped3A : memref<!tpu.dma_semaphore, #tpu.memory_space<semaphore_mem>>)
      %dma_wait3A_48 = tpu.memref_slice %arg4[%add3A_36] : memref<6400000xi32, #tpu.memory_space<hbm>> -> memref<1344xi32, #tpu.memory_space<hbm>>
      %dma_wait3A_49 = tpu.memref_slice %arg4[%add3A_36] : memref<6400000xi32, #tpu.memory_space<hbm>> -> memref<1344xi32, #tpu.memory_space<hbm>>
      tpu.wait_dma2 semaphore(%run_scoped3A : memref<!tpu.dma_semaphore, #tpu.memory_space<semaphore_mem>>) src(%dma_wait3A_49 : memref<1344xi32, #tpu.memory_space<hbm>>) dst(%arg21 : memref<1344xi32, #tpu.memory_space<vmem>>)
      tpu.yield
    }) : () -> ()
    "tpu.region"() ({
      %run_scoped3A = tpu.sem_alloc : memref<!tpu.dma_semaphore, #tpu.memory_space<semaphore_mem>>
      %dma_start3A_46 = tpu.memref_slice %arg5[%add3A_36] : memref<6400000xi32, #tpu.memory_space<hbm>> -> memref<1344xi32, #tpu.memory_space<hbm>>
      %dma_start3A_47 = tpu.memref_slice %arg5[%add3A_36] : memref<6400000xi32, #tpu.memory_space<hbm>> -> memref<1344xi32, #tpu.memory_space<hbm>>
      tpu.enqueue_dma source(%dma_start3A_47 : memref<1344xi32, #tpu.memory_space<hbm>>) target(%arg22 : memref<1344xi32, #tpu.memory_space<vmem>>) target_semaphore(%run_scoped3A : memref<!tpu.dma_semaphore, #tpu.memory_space<semaphore_mem>>)
      %dma_wait3A_48 = tpu.memref_slice %arg5[%add3A_36] : memref<6400000xi32, #tpu.memory_space<hbm>> -> memref<1344xi32, #tpu.memory_space<hbm>>
      %dma_wait3A_49 = tpu.memref_slice %arg5[%add3A_36] : memref<6400000xi32, #tpu.memory_space<hbm>> -> memref<1344xi32, #tpu.memory_space<hbm>>
      tpu.wait_dma2 semaphore(%run_scoped3A : memref<!tpu.dma_semaphore, #tpu.memory_space<semaphore_mem>>) src(%dma_wait3A_49 : memref<1344xi32, #tpu.memory_space<hbm>>) dst(%arg22 : memref<1344xi32, #tpu.memory_space<vmem>>)
      tpu.yield
    }) : () -> ()
    %parallel_loop3A_37 = arith.constant 0 : i32
    %parallel_loop3A_38 = arith.constant 1344 : i32
    %parallel_loop3A_39 = arith.constant 16 : i32
    %parallel_loop3A_40 = arith.constant 2.000000e-01 : f32
    %parallel_loop3A_41 = arith.constant 208.877548 : f32
    %parallel_loop3A_42 = arith.constant 2046 : i32
    scf.for %parallel_loop3A_46 = %parallel_loop3A_37 to %parallel_loop3A_38 step %parallel_loop3A_39  : i32 {
      %parallel_loop3A_47 = arith.index_cast %parallel_loop3A_46 : i32 to index
      %parallel_loop3A_48 = tpu.vector_load %arg21[%parallel_loop3A_47] {strides = array<i32>} : memref<1344xi32, #tpu.memory_space<vmem>>, vector<16xi32>,
      %parallel_loop3A_49 = arith.index_cast %parallel_loop3A_46 : i32 to index
      %parallel_loop3A_50 = tpu.vector_load %arg22[%parallel_loop3A_49] {strides = array<i32>} : memref<1344xi32, #tpu.memory_space<vmem>>, vector<16xi32>,
      %parallel_loop3A_51 = arith.index_cast %parallel_loop3A_46 : i32 to index
      %parallel_loop3A_52 = tpu.vector_load %arg20[%parallel_loop3A_51] {strides = array<i32>} : memref<1344xf32, #tpu.memory_space<vmem>>, vector<16xf32>,
      %parallel_loop3A_53 = tpu.vector_load_idx %arg9[%parallel_loop3A_48] : memref<100352xf32, #tpu.memory_space<vmem>>[vector<16xi32>], vector<16xf32>,
      %parallel_loop3A_54 = tpu.vector_load_idx %arg9[%parallel_loop3A_50] : memref<100352xf32, #tpu.memory_space<vmem>>[vector<16xi32>], vector<16xf32>,
      %parallel_loop3A_55 = vector.broadcast %parallel_loop3A_40 : f32 to vector<16xf32>
      %parallel_loop3A_56 = arith.subf %parallel_loop3A_52, %parallel_loop3A_55 : vector<16xf32>
      %parallel_loop3A_57 = vector.broadcast %parallel_loop3A_41 : f32 to vector<16xf32>
      %parallel_loop3A_58 = arith.mulf %parallel_loop3A_56, %parallel_loop3A_57 : vector<16xf32>
      %parallel_loop3A_59 = arith.fptosi %parallel_loop3A_58 : vector<16xf32> to vector<16xi32>
      %parallel_loop3A_60 = vector.broadcast %parallel_loop3A_42 : i32 to vector<16xi32>
      %parallel_loop3A_61 = arith.minsi %parallel_loop3A_59, %parallel_loop3A_60 : vector<16xi32>
      %parallel_loop3A_62 = arith.sitofp %parallel_loop3A_61 : vector<16xi32> to vector<16xf32>
      %parallel_loop3A_63 = arith.subf %parallel_loop3A_58, %parallel_loop3A_62 : vector<16xf32>
      %parallel_loop3A_64 = tpu.vector_load_idx %arg10[%parallel_loop3A_61] : memref<2048xf32, #tpu.memory_space<vmem>>[vector<16xi32>], vector<16xf32>,
      %parallel_loop3A_65 = arith.constant 1 : i32
      %parallel_loop3A_66 = vector.broadcast %parallel_loop3A_65 : i32 to vector<16xi32>
      %parallel_loop3A_67 = arith.addi %parallel_loop3A_61, %parallel_loop3A_66 : vector<16xi32>
      %parallel_loop3A_68 = tpu.vector_load_idx %arg10[%parallel_loop3A_67] : memref<2048xf32, #tpu.memory_space<vmem>>[vector<16xi32>], vector<16xf32>,
      %parallel_loop3A_69 = arith.subf %parallel_loop3A_68, %parallel_loop3A_64 : vector<16xf32>
      %parallel_loop3A_70 = arith.mulf %parallel_loop3A_63, %parallel_loop3A_69 : vector<16xf32>
      %parallel_loop3A_71 = arith.addf %parallel_loop3A_64, %parallel_loop3A_70 : vector<16xf32>
      %parallel_loop3A_72 = arith.mulf %parallel_loop3A_53, %parallel_loop3A_54 : vector<16xf32>
      %parallel_loop3A_73 = arith.mulf %parallel_loop3A_72, %parallel_loop3A_71 : vector<16xf32>
      %parallel_loop3A_74 = arith.index_cast %parallel_loop3A_46 : i32 to index
      %parallel_loop3A_75 = tpu.vector_load %arg23[%parallel_loop3A_74] {strides = array<i32>} : memref<1344xf32, #tpu.memory_space<vmem>>, vector<16xf32>,
      tpu.vector_store %arg23[%parallel_loop3A_74], %parallel_loop3A_73 {strides = array<i32>} : memref<1344xf32, #tpu.memory_space<vmem>>, vector<16xf32>,
    } {sc.loop_unroll_factor = 4 : i64, sc.parallel_access}
    "tpu.region"() ({
      %run_scoped3A = tpu.sem_alloc : memref<!tpu.dma_semaphore, #tpu.memory_space<semaphore_mem>>
      %dma_start3A_46 = arith.constant 0 : i32
      %dma_start3A_47 = tpu.memref_slice %arg11[%dma_start3A_46] : memref<100352xf32, #tpu.memory_space<vmem_shared>> -> memref<100352xf32, #tpu.memory_space<vmem_shared>>
      tpu.enqueue_indirect_dma source(%arg23 : memref<1344xf32, #tpu.memory_space<vmem>>) target(%dma_start3A_47 : memref<100352xf32, #tpu.memory_space<vmem_shared>>) offsets(%arg21 : memref<1344xi32, #tpu.memory_space<vmem>>) semaphore(%run_scoped3A : memref<!tpu.dma_semaphore, #tpu.memory_space<semaphore_mem>>) {add = true}
      %dma_wait3A_48 = arith.constant 0 : i32
      %dma_wait3A_49 = tpu.memref_slice %arg11[%dma_wait3A_48] : memref<100352xf32, #tpu.memory_space<vmem_shared>> -> memref<100352xf32, #tpu.memory_space<vmem_shared>>
      tpu.wait_indirect_dma semaphore(%run_scoped3A : memref<!tpu.dma_semaphore, #tpu.memory_space<semaphore_mem>>) src(%arg23 : memref<1344xf32, #tpu.memory_space<vmem>>) dst(%dma_wait3A_49 : memref<100352xf32, #tpu.memory_space<vmem_shared>>)
      tpu.yield
    }) : () -> ()
    %barrier3A_43 = arith.constant 0 : index
    tpu.barrier barrier_id(%barrier3A_43)
    %mul3A_44 = arith.constant 6272 : i32
    %mul3A_45 = arith.muli %arg1, %mul3A_44 : i32
    "tpu.region"() ({
      %run_scoped3A = tpu.sem_alloc : memref<!tpu.dma_semaphore, #tpu.memory_space<semaphore_mem>>
      %dma_start3A_46 = tpu.memref_slice %arg8[%arg0, %mul3A_45] : memref<2x100352xf32, #tpu.memory_space<hbm>> -> memref<1x6272xf32, #tpu.memory_space<hbm>>
      %dma_start3A_47 = tpu.memref_squeeze %dma_start3A_46 : memref<1x6272xf32, #tpu.memory_space<hbm>> -> memref<6272xf32, #tpu.memory_space<hbm>>
      %dma_start3A_48 = tpu.memref_slice %arg11[%mul3A_45] : memref<100352xf32, #tpu.memory_space<vmem_shared>> -> memref<6272xf32, #tpu.memory_space<vmem_shared>>
      tpu.enqueue_dma source(%dma_start3A_48 : memref<6272xf32, #tpu.memory_space<vmem_shared>>) target(%dma_start3A_47 : memref<6272xf32, #tpu.memory_space<hbm>>) target_semaphore(%run_scoped3A : memref<!tpu.dma_semaphore, #tpu.memory_space<semaphore_mem>>)
      %dma_wait3A_49 = tpu.memref_slice %arg8[%arg0, %mul3A_45] : memref<2x100352xf32, #tpu.memory_space<hbm>> -> memref<1x6272xf32, #tpu.memory_space<hbm>>
      %dma_wait3A_50 = tpu.memref_squeeze %dma_wait3A_49 : memref<1x6272xf32, #tpu.memory_space<hbm>> -> memref<6272xf32, #tpu.memory_space<hbm>>
      %dma_wait3A_51 = tpu.memref_slice %arg11[%mul3A_45] : memref<100352xf32, #tpu.memory_space<vmem_shared>> -> memref<6272xf32, #tpu.memory_space<vmem_shared>>
      tpu.wait_dma2 semaphore(%run_scoped3A : memref<!tpu.dma_semaphore, #tpu.memory_space<semaphore_mem>>) src(%dma_wait3A_51 : memref<6272xf32, #tpu.memory_space<vmem_shared>>) dst(%dma_wait3A_50 : memref<6272xf32, #tpu.memory_space<hbm>>)
      tpu.yield
    }) : () -> ()
    return
  }
}

module attributes {stable_mosaic.version = 14 : i64} {
  func.func @_moments_body(%arg0: i32, %arg1: memref<1x1x2048xf32, #tpu.memory_space<vmem>>, %arg2: memref<1x1x2048xf32, #tpu.memory_space<vmem>>, %arg3: memref<1x1x2048xf32, #tpu.memory_space<vmem>>, %arg4: memref<1x1x2048xf32, #tpu.memory_space<vmem>>, %arg5: memref<1x1x2048xi32, #tpu.memory_space<vmem>>, %arg6: memref<64x96xf32, #tpu.memory_space<vmem>>, %arg7: memref<64x72xf32, #tpu.memory_space<vmem>>) attributes {dimension_semantics = [#tpu.dimension_semantics<arbitrary>], iteration_bounds = array<i64: 49>, scalar_prefetch = 0 : i64, scratch_operands = 0 : i64, tpu.core_type = #tpu.core_type<tc>, window_params = [{transform_indices = @transform_0, window_bounds = array<i64: 1, 1, 2048>}, {transform_indices = @transform_1, window_bounds = array<i64: 1, 1, 2048>}, {transform_indices = @transform_2, window_bounds = array<i64: 1, 1, 2048>}, {transform_indices = @transform_3, window_bounds = array<i64: 1, 1, 2048>}, {transform_indices = @transform_4, window_bounds = array<i64: 1, 1, 2048>}, {pipeline_mode = #tpu.pipeline_mode<synchronous>, transform_indices = @transform_5, window_bounds = array<i64: 64, 96>}, {pipeline_mode = #tpu.pipeline_mode<synchronous>, transform_indices = @transform_6, window_bounds = array<i64: 64, 72>}]} {
    %get3A = arith.constant 0 : index
    %get3A_0 = arith.constant 0 : index
    %get3A_1 = arith.constant 0 : index
    %get3A_2 = vector.load %arg1[%get3A, %get3A_0, %get3A_1] : memref<1x1x2048xf32, #tpu.memory_space<vmem>>, vector<1x1x2048xf32>
    %get3A_3 = vector.shape_cast %get3A_2 : vector<1x1x2048xf32> to vector<2048xf32>
    %get3A_4 = arith.constant 0 : index
    %get3A_5 = arith.constant 0 : index
    %get3A_6 = arith.constant 0 : index
    %get3A_7 = vector.load %arg2[%get3A_4, %get3A_5, %get3A_6] : memref<1x1x2048xf32, #tpu.memory_space<vmem>>, vector<1x1x2048xf32>
    %get3A_8 = vector.shape_cast %get3A_7 : vector<1x1x2048xf32> to vector<2048xf32>
    %get3A_9 = arith.constant 0 : index
    %get3A_10 = arith.constant 0 : index
    %get3A_11 = arith.constant 0 : index
    %get3A_12 = vector.load %arg3[%get3A_9, %get3A_10, %get3A_11] : memref<1x1x2048xf32, #tpu.memory_space<vmem>>, vector<1x1x2048xf32>
    %get3A_13 = vector.shape_cast %get3A_12 : vector<1x1x2048xf32> to vector<2048xf32>
    %get3A_14 = arith.constant 0 : index
    %get3A_15 = arith.constant 0 : index
    %get3A_16 = arith.constant 0 : index
    %get3A_17 = vector.load %arg4[%get3A_14, %get3A_15, %get3A_16] : memref<1x1x2048xf32, #tpu.memory_space<vmem>>, vector<1x1x2048xf32>
    %get3A_18 = vector.shape_cast %get3A_17 : vector<1x1x2048xf32> to vector<2048xf32>
    %get3A_19 = arith.constant 0 : index
    %get3A_20 = arith.constant 0 : index
    %get3A_21 = arith.constant 0 : index
    %get3A_22 = vector.load %arg5[%get3A_19, %get3A_20, %get3A_21] : memref<1x1x2048xi32, #tpu.memory_space<vmem>>, vector<1x1x2048xi32>
    %get3A_23 = vector.shape_cast %get3A_22 : vector<1x1x2048xi32> to vector<2048xi32>
    %broadcast_in_dim3A = vector.shape_cast %get3A_23 : vector<2048xi32> to vector<2048x1xi32>
    %iota3A = tpu.iota {dimensions = array<i32: 1>} : vector<2048x64xi32>
    %eq3A = vector.broadcast %broadcast_in_dim3A : vector<2048x1xi32> to vector<2048x64xi32>
    %eq3A_24 = arith.cmpi eq, %eq3A, %iota3A : vector<2048x64xi32>
    %convert_element_type3A = arith.extui %eq3A_24 : vector<2048x64xi1> to vector<2048x64xi32>
    %convert_element_type3A_25 = arith.sitofp %convert_element_type3A : vector<2048x64xi32> to vector<2048x64xf32>
    %get3A_26 = arith.constant 0 : index
    %get3A_27 = arith.constant 0 : index
    %get3A_28 = vector.load %arg6[%get3A_26, %get3A_27] : memref<64x96xf32, #tpu.memory_space<vmem>>, vector<64x96xf32>
    %dot_general3A = arith.constant dense<0.000000e+00> : vector<2048x96xf32>
    %dot_general3A_29 = tpu.matmul %convert_element_type3A_25, %get3A_28, %dot_general3A {dimension_numbers = #tpu.dot_dimension_numbers<[1], [0], [0], [1], [0, 0, 1, 1], [], []>, precision = #tpu.contract_precision<fp32>, transpose_lhs_hint = false} : vector<2048x64xf32>, vector<64x96xf32>, vector<2048x96xf32> -> vector<2048x96xf32>
    %slice3A = vector.extract_strided_slice %dot_general3A_29 {offsets = [0, 0], sizes = [2048, 32], strides = [1, 1]} : vector<2048x96xf32> to vector<2048x32xf32>
    %broadcast_in_dim3A_30 = vector.shape_cast %get3A_8 : vector<2048xf32> to vector<2048x1xf32>
    %mul3A = vector.broadcast %broadcast_in_dim3A_30 : vector<2048x1xf32> to vector<2048x32xf32>
    %mul3A_31 = arith.mulf %slice3A, %mul3A : vector<2048x32xf32>
    %slice3A_32 = vector.extract_strided_slice %dot_general3A_29 {offsets = [0, 32], sizes = [2048, 32], strides = [1, 1]} : vector<2048x96xf32> to vector<2048x32xf32>
    %broadcast_in_dim3A_33 = vector.shape_cast %get3A_13 : vector<2048xf32> to vector<2048x1xf32>
    %mul3A_34 = vector.broadcast %broadcast_in_dim3A_33 : vector<2048x1xf32> to vector<2048x32xf32>
    %mul3A_35 = arith.mulf %slice3A_32, %mul3A_34 : vector<2048x32xf32>
    %add3A = arith.addf %mul3A_31, %mul3A_35 : vector<2048x32xf32>
    %slice3A_36 = vector.extract_strided_slice %dot_general3A_29 {offsets = [0, 64], sizes = [2048, 32], strides = [1, 1]} : vector<2048x96xf32> to vector<2048x32xf32>
    %broadcast_in_dim3A_37 = vector.shape_cast %get3A_18 : vector<2048xf32> to vector<2048x1xf32>
    %mul3A_38 = vector.broadcast %broadcast_in_dim3A_37 : vector<2048x1xf32> to vector<2048x32xf32>
    %mul3A_39 = arith.mulf %slice3A_36, %mul3A_38 : vector<2048x32xf32>
    %add3A_40 = arith.addf %add3A, %mul3A_39 : vector<2048x32xf32>
    %broadcast_in_dim3A_41 = vector.shape_cast %get3A_3 : vector<2048xf32> to vector<2048x1xf32>
    %cos3A = math.cos %add3A_40 : vector<2048x32xf32>
    %mul3A_42 = vector.broadcast %broadcast_in_dim3A_41 : vector<2048x1xf32> to vector<2048x32xf32>
    %mul3A_43 = arith.mulf %mul3A_42, %cos3A : vector<2048x32xf32>
    %broadcast_in_dim3A_44 = vector.shape_cast %get3A_3 : vector<2048xf32> to vector<2048x1xf32>
    %sin3A = math.sin %add3A_40 : vector<2048x32xf32>
    %mul3A_45 = vector.broadcast %broadcast_in_dim3A_44 : vector<2048x1xf32> to vector<2048x32xf32>
    %mul3A_46 = arith.mulf %mul3A_45, %sin3A : vector<2048x32xf32>
    %mul3A_47 = arith.constant 2048 : i32
    %mul3A_48 = arith.muli %arg0, %mul3A_47 : i32
    %iota3A_49 = tpu.iota {dimensions = array<i32: 1>} : vector<1x2048xi32>
    %iota3A_50 = vector.shape_cast %iota3A_49 : vector<1x2048xi32> to vector<2048xi32>
    %add3A_51 = vector.broadcast %mul3A_48 : i32 to vector<2048xi32>
    %add3A_52 = arith.addi %add3A_51, %iota3A_50 : vector<2048xi32>
    %lt3A = arith.constant 100000 : i32
    %lt3A_53 = vector.broadcast %lt3A : i32 to vector<2048xi32>
    %lt3A_54 = arith.cmpi slt, %add3A_52, %lt3A_53 : vector<2048xi32>
    %convert_element_type3A_55 = arith.extui %lt3A_54 : vector<2048xi1> to vector<2048xi32>
    %convert_element_type3A_56 = arith.sitofp %convert_element_type3A_55 : vector<2048xi32> to vector<2048xf32>
    %mul3A_57 = arith.mulf %get3A_3, %get3A_3 : vector<2048xf32>
    %mul3A_58 = arith.mulf %get3A_3, %get3A_8 : vector<2048xf32>
    %mul3A_59 = arith.mulf %get3A_3, %get3A_13 : vector<2048xf32>
    %mul3A_60 = arith.mulf %get3A_3, %get3A_18 : vector<2048xf32>
    %broadcast_in_dim3A_61 = arith.constant 0.000000e+00 : f32
    %broadcast_in_dim3A_62 = vector.broadcast %broadcast_in_dim3A_61 : f32 to vector<2048xf32>
    %broadcast_in_dim3A_63 = arith.constant 0.000000e+00 : f32
    %broadcast_in_dim3A_64 = vector.broadcast %broadcast_in_dim3A_63 : f32 to vector<2048xf32>
    %broadcast_in_dim3A_65 = arith.constant 0.000000e+00 : f32
    %broadcast_in_dim3A_66 = vector.broadcast %broadcast_in_dim3A_65 : f32 to vector<2048xf32>
    %stack3A = vector.shape_cast %mul3A_57 : vector<2048xf32> to vector<2048x1xf32>
    %stack3A_67 = vector.shape_cast %mul3A_58 : vector<2048xf32> to vector<2048x1xf32>
    %stack3A_68 = vector.shape_cast %mul3A_59 : vector<2048xf32> to vector<2048x1xf32>
    %stack3A_69 = vector.shape_cast %mul3A_60 : vector<2048xf32> to vector<2048x1xf32>
    %stack3A_70 = vector.shape_cast %convert_element_type3A_56 : vector<2048xf32> to vector<2048x1xf32>
    %stack3A_71 = vector.shape_cast %broadcast_in_dim3A_62 : vector<2048xf32> to vector<2048x1xf32>
    %stack3A_72 = vector.shape_cast %broadcast_in_dim3A_64 : vector<2048xf32> to vector<2048x1xf32>
    %stack3A_73 = vector.shape_cast %broadcast_in_dim3A_66 : vector<2048xf32> to vector<2048x1xf32>
    %stack3A_74 = tpu.concatenate %stack3A, %stack3A_67, %stack3A_68, %stack3A_69, %stack3A_70, %stack3A_71, %stack3A_72, %stack3A_73 in 1 : vector<2048x1xf32>, vector<2048x1xf32>, vector<2048x1xf32>, vector<2048x1xf32>, vector<2048x1xf32>, vector<2048x1xf32>, vector<2048x1xf32>, vector<2048x1xf32> -> vector<2048x8xf32>
    %concatenate3A = tpu.concatenate %mul3A_43, %mul3A_46, %stack3A_74 in 1 : vector<2048x32xf32>, vector<2048x32xf32>, vector<2048x8xf32> -> vector<2048x72xf32>
    %dot_general3A_75 = arith.constant dense<0.000000e+00> : vector<64x72xf32>
    %dot_general3A_76 = tpu.matmul %convert_element_type3A_25, %concatenate3A, %dot_general3A_75 {dimension_numbers = #tpu.dot_dimension_numbers<[0], [0], [1], [1], [0, 1, 1, 1], [], []>, precision = #tpu.contract_precision<fp32>, transpose_lhs_hint = false} : vector<2048x64xf32>, vector<2048x72xf32>, vector<64x72xf32> -> vector<64x72xf32>
    %eq3A_77 = arith.constant 0 : i32
    %eq3A_78 = arith.cmpi eq, %arg0, %eq3A_77 : i32
    %convert_element_type3A_79 = arith.extui %eq3A_78 : i1 to i32
    %cond3A = arith.constant 0 : i32
    %cond3A_80 = arith.cmpi ne, %convert_element_type3A_79, %cond3A : i32
    scf.if %cond3A_80 {
      %broadcast_in_dim3A_87 = arith.constant 0.000000e+00 : f32
      %broadcast_in_dim3A_88 = vector.broadcast %broadcast_in_dim3A_87 : f32 to vector<64x72xf32>
      %swap3A_89 = arith.constant 0 : index
      %swap3A_90 = arith.constant 0 : index
      %swap3A_91 = vector.load %arg7[%swap3A_89, %swap3A_90] : memref<64x72xf32, #tpu.memory_space<vmem>>, vector<64x72xf32>
      tpu.vector_store %arg7[%swap3A_89, %swap3A_90], %broadcast_in_dim3A_88 {strides = array<i32>} : memref<64x72xf32, #tpu.memory_space<vmem>>, vector<64x72xf32>,
    } else {
    }
    %get3A_81 = arith.constant 0 : index
    %get3A_82 = arith.constant 0 : index
    %get3A_83 = vector.load %arg7[%get3A_81, %get3A_82] : memref<64x72xf32, #tpu.memory_space<vmem>>, vector<64x72xf32>
    %add3A_84 = arith.addf %get3A_83, %dot_general3A_76 : vector<64x72xf32>
    %swap3A = arith.constant 0 : index
    %swap3A_85 = arith.constant 0 : index
    %swap3A_86 = vector.load %arg7[%swap3A, %swap3A_85] : memref<64x72xf32, #tpu.memory_space<vmem>>, vector<64x72xf32>
    tpu.vector_store %arg7[%swap3A, %swap3A_85], %add3A_84 {strides = array<i32>} : memref<64x72xf32, #tpu.memory_space<vmem>>, vector<64x72xf32>,
    return
  }
  func.func @transform_0(%arg0: i32) -> (i32, i32, i32) {
    %c0_i32 = arith.constant 0 : i32
    %c0_i32_0 = arith.constant 0 : i32
    %c0_i32_1 = arith.constant 0 : i32
    return %arg0, %c0_i32, %c0_i32_0 : i32, i32, i32
  }
  func.func @transform_1(%arg0: i32) -> (i32, i32, i32) {
    %c0_i32 = arith.constant 0 : i32
    %c0_i32_0 = arith.constant 0 : i32
    %c0_i32_1 = arith.constant 0 : i32
    return %arg0, %c0_i32, %c0_i32_0 : i32, i32, i32
  }
  func.func @transform_2(%arg0: i32) -> (i32, i32, i32) {
    %c0_i32 = arith.constant 0 : i32
    %c0_i32_0 = arith.constant 0 : i32
    %c0_i32_1 = arith.constant 0 : i32
    return %arg0, %c0_i32, %c0_i32_0 : i32, i32, i32
  }
  func.func @transform_3(%arg0: i32) -> (i32, i32, i32) {
    %c0_i32 = arith.constant 0 : i32
    %c0_i32_0 = arith.constant 0 : i32
    %c0_i32_1 = arith.constant 0 : i32
    return %arg0, %c0_i32, %c0_i32_0 : i32, i32, i32
  }
  func.func @transform_4(%arg0: i32) -> (i32, i32, i32) {
    %c0_i32 = arith.constant 0 : i32
    %c0_i32_0 = arith.constant 0 : i32
    %c0_i32_1 = arith.constant 0 : i32
    return %arg0, %c0_i32, %c0_i32_0 : i32, i32, i32
  }
  func.func @transform_5(%arg0: i32) -> (i32, i32) {
    %c0_i32 = arith.constant 0 : i32
    %c0_i32_0 = arith.constant 0 : i32
    %c0_i32_1 = arith.constant 0 : i32
    return %c0_i32, %c0_i32_0 : i32, i32
  }
  func.func @transform_6(%arg0: i32) -> (i32, i32) {
    %c0_i32 = arith.constant 0 : i32
    %c0_i32_0 = arith.constant 0 : i32
    %c0_i32_1 = arith.constant 0 : i32
    return %c0_i32, %c0_i32_0 : i32, i32
  }
}

module attributes {stable_mosaic.version = 14 : i64} {
  func.func @_combine_body(%arg0: i32, %arg1: memref<1x1x2048xf32, #tpu.memory_space<vmem>>, %arg2: memref<1x1x2048xf32, #tpu.memory_space<vmem>>, %arg3: memref<1x1x2048xi32, #tpu.memory_space<vmem>>, %arg4: memref<64x1xf32, #tpu.memory_space<vmem>>, %arg5: memref<1x1x2048xf32, #tpu.memory_space<vmem>>) attributes {dimension_semantics = [#tpu.dimension_semantics<arbitrary>], iteration_bounds = array<i64: 49>, scalar_prefetch = 0 : i64, scratch_operands = 0 : i64, tpu.core_type = #tpu.core_type<tc>, window_params = [{transform_indices = @transform_0, window_bounds = array<i64: 1, 1, 2048>}, {transform_indices = @transform_1, window_bounds = array<i64: 1, 1, 2048>}, {transform_indices = @transform_2, window_bounds = array<i64: 1, 1, 2048>}, {pipeline_mode = #tpu.pipeline_mode<synchronous>, transform_indices = @transform_3, window_bounds = array<i64: 64, 1>}, {transform_indices = @transform_4, window_bounds = array<i64: 1, 1, 2048>}]} {
    %get3A = arith.constant 0 : index
    %get3A_0 = arith.constant 0 : index
    %get3A_1 = arith.constant 0 : index
    %get3A_2 = vector.load %arg3[%get3A, %get3A_0, %get3A_1] : memref<1x1x2048xi32, #tpu.memory_space<vmem>>, vector<1x1x2048xi32>
    %get3A_3 = vector.shape_cast %get3A_2 : vector<1x1x2048xi32> to vector<2048xi32>
    %broadcast_in_dim3A = vector.shape_cast %get3A_3 : vector<2048xi32> to vector<2048x1xi32>
    %iota3A = tpu.iota {dimensions = array<i32: 1>} : vector<2048x64xi32>
    %eq3A = vector.broadcast %broadcast_in_dim3A : vector<2048x1xi32> to vector<2048x64xi32>
    %eq3A_4 = arith.cmpi eq, %eq3A, %iota3A : vector<2048x64xi32>
    %convert_element_type3A = arith.extui %eq3A_4 : vector<2048x64xi1> to vector<2048x64xi32>
    %convert_element_type3A_5 = arith.sitofp %convert_element_type3A : vector<2048x64xi32> to vector<2048x64xf32>
    %get3A_6 = arith.constant 0 : index
    %get3A_7 = arith.constant 0 : index
    %get3A_8 = vector.load %arg4[%get3A_6, %get3A_7] : memref<64x1xf32, #tpu.memory_space<vmem>>, vector<64x1xf32>
    %dot_general3A = arith.constant dense<0.000000e+00> : vector<2048x1xf32>
    %dot_general3A_9 = tpu.matmul %convert_element_type3A_5, %get3A_8, %dot_general3A {dimension_numbers = #tpu.dot_dimension_numbers<[1], [0], [0], [1], [0, 0, 1, 1], [], []>, precision = #tpu.contract_precision<fp32>, transpose_lhs_hint = false} : vector<2048x64xf32>, vector<64x1xf32>, vector<2048x1xf32> -> vector<2048x1xf32>
    %get3A_10 = arith.constant 0 : index
    %get3A_11 = arith.constant 0 : index
    %get3A_12 = arith.constant 0 : index
    %get3A_13 = vector.load %arg1[%get3A_10, %get3A_11, %get3A_12] : memref<1x1x2048xf32, #tpu.memory_space<vmem>>, vector<1x1x2048xf32>
    %get3A_14 = vector.shape_cast %get3A_13 : vector<1x1x2048xf32> to vector<2048xf32>
    %get3A_15 = arith.constant 0 : index
    %get3A_16 = arith.constant 0 : index
    %get3A_17 = arith.constant 0 : index
    %get3A_18 = vector.load %arg2[%get3A_15, %get3A_16, %get3A_17] : memref<1x1x2048xf32, #tpu.memory_space<vmem>>, vector<1x1x2048xf32>
    %get3A_19 = vector.shape_cast %get3A_18 : vector<1x1x2048xf32> to vector<2048xf32>
    %add3A = arith.addf %get3A_14, %get3A_19 : vector<2048xf32>
    %squeeze3A = vector.shape_cast %dot_general3A_9 : vector<2048x1xf32> to vector<2048xf32>
    %add3A_20 = arith.addf %add3A, %squeeze3A : vector<2048xf32>
    %swap3A = arith.constant 0 : index
    %swap3A_21 = arith.constant 0 : index
    %swap3A_22 = arith.constant 0 : index
    %swap3A_23 = vector.load %arg5[%swap3A, %swap3A_21, %swap3A_22] : memref<1x1x2048xf32, #tpu.memory_space<vmem>>, vector<1x1x2048xf32>
    %swap3A_24 = vector.shape_cast %swap3A_23 : vector<1x1x2048xf32> to vector<2048xf32>
    %swap3A_25 = vector.shape_cast %add3A_20 : vector<2048xf32> to vector<1x1x2048xf32>
    tpu.vector_store %arg5[%swap3A, %swap3A_21, %swap3A_22], %swap3A_25 {strides = array<i32>} : memref<1x1x2048xf32, #tpu.memory_space<vmem>>, vector<1x1x2048xf32>,
    return
  }
  func.func @transform_0(%arg0: i32) -> (i32, i32, i32) {
    %c0_i32 = arith.constant 0 : i32
    %c0_i32_0 = arith.constant 0 : i32
    %c0_i32_1 = arith.constant 0 : i32
    return %arg0, %c0_i32, %c0_i32_0 : i32, i32, i32
  }
  func.func @transform_1(%arg0: i32) -> (i32, i32, i32) {
    %c0_i32 = arith.constant 0 : i32
    %c0_i32_0 = arith.constant 0 : i32
    %c0_i32_1 = arith.constant 0 : i32
    return %arg0, %c0_i32, %c0_i32_0 : i32, i32, i32
  }
  func.func @transform_2(%arg0: i32) -> (i32, i32, i32) {
    %c0_i32 = arith.constant 0 : i32
    %c0_i32_0 = arith.constant 0 : i32
    %c0_i32_1 = arith.constant 0 : i32
    return %arg0, %c0_i32, %c0_i32_0 : i32, i32, i32
  }
  func.func @transform_3(%arg0: i32) -> (i32, i32) {
    %c0_i32 = arith.constant 0 : i32
    %c0_i32_0 = arith.constant 0 : i32
    %c0_i32_1 = arith.constant 0 : i32
    return %c0_i32, %c0_i32_0 : i32, i32
  }
  func.func @transform_4(%arg0: i32) -> (i32, i32, i32) {
    %c0_i32 = arith.constant 0 : i32
    %c0_i32_0 = arith.constant 0 : i32
    %c0_i32_1 = arith.constant 0 : i32
    return %arg0, %c0_i32, %c0_i32_0 : i32, i32, i32
  }
}

</mosaic_0001>

<sc_bundles>
// kernel: kernel.5.cloned.1.call-start
scs
__scs_entry_jumppad:
0x0: {  	(pc) =	sbr.rel $0x88, $3  }
0x1: {  	(tag) =	ssettag $0x0;
	lr =	simm.s32 $0x1  }
0x2: {  	[smem:$0x3F9A] =	sst lr;
	_ =	strace $0xD0000000  }
0x3: {  	_ = 	snop  }
0x4: {  	_ = 	snop  }
0x5: {  	_ = 	snop  }
0x6: {  	_ = 	snop  }
0x7: {  	_ = 	snop  }
__scs_overlays_trampoline_lowered:
0x8: {  	[smem:$0x3FA9] =	sst s0  }
0x9: {  	[smem:$0x3FAA] =	sst s1  }
0xa: {  	[smem:$0x3FAB] =	sst s2  }
0xb: {  	[smem:$0x3FAC] =	sst s3  }
0xc: {  	[smem:$0x3FAD] =	sst s4  }
0xd: {  	[smem:$0x3FAE] =	sst s5  }
0xe: {  	[smem:$0x3FAF] =	sst s6  }
0xf: {  	[smem:$0x3FB0] =	sst s7  }
0x10: {  	[smem:$0x3FB1] =	sst s8  }
0x11: {  	[smem:$0x3FB2] =	sst s9;
	s0 =	simm.s32 @!p0 $0x0  }
0x12: {  	s1 =	sld [smem:$0x3F98];
	s0 =	simm.s32 @p0 $0x1  }
0x13: {  	[smem:$0x3FB3] =	sst s0;
	s0 =	simm.s32 @!p1 $0x0  }
0x14: {  	s2 =	sld [smem:$0x3F97];
	s0 =	simm.s32 @p1 $0x1  }
0x15: {  	[smem:$0x3FB4] =	sst s0;
	s0 =	simm.s32 @!p2 $0x0  }
0x16: {  	s3 =	sld [smem:$0x3FDB];
	s0 =	simm.s32 @p2 $0x1  }
0x17: {  	s4 =	simm.s32 $0x1BF5;
	[smem:$0x3FB6] =	sst s0  }
0x18: {  	s0 =	sld [smem:$0x3F99];
	_ =	swait.ge [sflag:s4], $0x0  }
0x19: {  	s7 =	sld [smem:$0x3F9A]  }
0x1a: {  	s8 =	sadd.s32 $0xFFFFE003, lr  }
0x1b: {  	s9 =	sadd.s32 $0xFFFFFEF7, lr;
	s5 =	simm.s32 $0xFFFFFFFF;
	p2 =	slt.u32 s8, $0xFFFFF086  }
0x1c: {  	p1 =	slt.u32 s9, $0xF7A;
	s5 =	simm.s32 @!p2 $0x0  }
0x1d: {  	s5 =	simm.s32 @p1 $0x1;
	p0 =	seq.s32 s7, s2  }
0x1e: {  	s7 =	smul.u32 @!p0 $0xF7A, s2;
	p2 =	seq.s32 @!p0 s5, $0x0  }
0x1f: {  	s9 =	smul.u32 $0xF7A, s1;
	s8 =	simm.s32 @!p0 $0x1BF5;
	p2 =	por !p2, p0  }
0x20: {  	[sflag:s8] =	ssyncset.s32 @!p0 $0xFFFFF086;
	s6 =	sadd.s32 @!p0 s3, s7;
	s7 =	simm.s32 @!p0 $0x108  }
0x21: {  	s3 =	sadd.s32 s3, s9;
	s6 =	sadd.s32 @!p0 $0x88, s6;
	s7 =	simm.s32 @p2 $0x1082  }
0x22: {  	[simem:s7], [sflag:s8] =	dma.local @!p0 [hbm:s6], $0xF7A  }
0x23: {  	s9 =	sor.u32 $0xD0000000, s2;
	s6 =	simm.s32 $0x108;
	_ =	swait.ge @!p0 [sflag:s8], $0x0  }
0x24: {  	s3 =	sadd.s32 $0x88, s3;
	s6 =	simm.s32 @!p1 $0x1082;
	[sflag:s4] =	ssyncset.s32 $0xFFFFF086  }
0x25: {  	[simem:s6], [sflag:s4] =	dma.local [hbm:s3], $0xF7A  }
0x26: {  	[smem:$0x3F9A] =	sst s1;
	(tag) =	ssettag s2;
	_ =	strace s9  }
0x27: {  	s1 =	sld [smem:$0x3FAA]  }
0x28: {  	s2 =	sld [smem:$0x3FAB]  }
0x29: {  	s4 =	sld [smem:$0x3FAD]  }
0x2a: {  	p0 =	seq.s32 s5, $0x0;
	s5 =	sld [smem:$0x3FAE]  }
0x2b: {  	s6 =	sld [smem:$0x3FAF]  }
0x2c: {  	s7 =	sld [smem:$0x3FB0]  }
0x2d: {  	s3 =	simm.s32 $0x108;
	s8 =	sld [smem:$0x3FB1]  }
0x2e: {  	s3 =	simm.s32 @!p0 $0x1082;
	s9 =	sld [smem:$0x3FB2]  }
0x2f: {  	lr =	sadd.s32 s0, s3;
	s0 =	sld [smem:$0x3FA9]  }
0x30: {  	s3 =	sld [smem:$0x3FAC]  }
0x31: {  	[smem:$0x3FB5] =	sst s10  }
0x32: {  	s10 =	sld [smem:$0x3FB3];
	_ =	sdelay $0x3  }
0x33: {  	p0 =	seq.s32 s10, $0x1;
	s10 =	sld [smem:$0x3FB5];
	_ =	sdelay $0x3  }
0x34: {  	[smem:$0x3FB5] =	sst s10  }
0x35: {  	s10 =	sld [smem:$0x3FB4];
	_ =	sdelay $0x3  }
0x36: {  	p1 =	seq.s32 s10, $0x1;
	s10 =	sld [smem:$0x3FB5];
	_ =	sdelay $0x3  }
0x37: {  	[smem:$0x3FB5] =	sst s10  }
0x38: {  	s10 =	sld [smem:$0x3FB6]  }
0x39: {  	_ = 	snop;
	(pc) =	sbr.ind lr, $3  }
0x3a: {  	_ = 	snop  }
0x3b: {  	_ = 	snop  }
0x3c: {  	p2 =	seq.s32 s10, $0x1;
	s10 =	sld [smem:$0x3FB5]  }
0x3d: {  	_ =	shalt  }
0x3e: {  	_ =	shalt  }
0x3f: {  	_ =	shalt  }
0x40: {  	_ =	shalt  }
0x41: {  	_ =	shalt  }
0x42: {  	_ =	shalt  }
0x43: {  	_ =	shalt  }
0x44: {  	_ =	shalt  }
0x45: {  	_ =	shalt  }
0x46: {  	_ =	shalt  }
0x47: {  	_ =	shalt  }
0x48: {  	_ =	shalt  }
0x49: {  	_ =	shalt  }
0x4a: {  	_ =	shalt  }
0x4b: {  	_ =	shalt  }
0x4c: {  	_ =	shalt  }
0x4d: {  	_ =	shalt  }
0x4e: {  	_ =	shalt  }
0x4f: {  	_ =	shalt  }
0x50: {  	_ =	shalt  }
0x51: {  	_ =	shalt  }
0x52: {  	_ =	shalt  }
0x53: {  	_ =	shalt  }
0x54: {  	_ =	shalt  }
0x55: {  	_ =	shalt  }
0x56: {  	_ =	shalt  }
0x57: {  	_ =	shalt  }
0x58: {  	_ =	shalt  }
0x59: {  	_ =	shalt  }
0x5a: {  	_ =	shalt  }
0x5b: {  	_ =	shalt  }
0x5c: {  	_ =	shalt  }
0x5d: {  	_ =	shalt  }
0x5e: {  	_ =	shalt  }
0x5f: {  	_ =	shalt  }
0x60: {  	_ =	shalt  }
0x61: {  	_ =	shalt  }
0x62: {  	_ =	shalt  }
0x63: {  	_ =	shalt  }
0x64: {  	_ =	shalt  }
0x65: {  	_ =	shalt  }
0x66: {  	_ =	shalt  }
0x67: {  	_ =	shalt  }
0x68: {  	_ =	shalt  }
0x69: {  	_ =	shalt  }
0x6a: {  	_ =	shalt  }
0x6b: {  	_ =	shalt  }
0x6c: {  	_ =	shalt  }
0x6d: {  	_ =	shalt  }
0x6e: {  	_ =	shalt  }
0x6f: {  	_ =	shalt  }
0x70: {  	_ =	shalt  }
0x71: {  	_ =	shalt  }
0x72: {  	_ =	shalt  }
0x73: {  	_ =	shalt  }
0x74: {  	_ =	shalt  }
0x75: {  	_ =	shalt  }
0x76: {  	_ =	shalt  }
0x77: {  	_ =	shalt  }
0x78: {  	_ =	shalt  }
0x79: {  	_ =	shalt  }
0x7a: {  	_ =	shalt  }
0x7b: {  	_ =	shalt  }
0x7c: {  	_ =	shalt  }
0x7d: {  	_ =	shalt  }
0x7e: {  	_ =	shalt  }
0x7f: {  	_ =	shalt  }
0x80: {  	_ =	shalt  }
0x81: {  	_ =	shalt  }
0x82: {  	_ =	shalt  }
0x83: {  	_ =	shalt  }
0x84: {  	_ =	shalt  }
0x85: {  	_ =	shalt  }
0x86: {  	_ =	shalt  }
0x87: {  	_ =	shalt  }
.Lfunc_end0:
.L_simem_size_0:
called_computation_lowered:
.L_overlay_start_0:
0x88: {  	s2 =	sld [smem:$0x3FD9]  }
0x89: {  	s3 =	sld [smem:$0x3FFE];
	_ =	sdelay $0x1  }
0x8a: {  	s1 =	srdreg.scid  }
0x8b: {  	s0 =	sand.u32 $0x1, s1  }
0x8c: {  	s14 =	sshll.u32 s0, $0xA;
	s2 =	sadd.s32 s3, s2  }
0x8d: {  	s2 =	sadd.s32 s2, s14  }
0x8e: {  	[smem:$0x3FC1] =	sst s2  }
0x8f: {  	_ = 	snop  }
0x90: {  	s2 =	sld [smem:$0x3FD0]  }
0x91: {  	s15 =	sld [smem:$0x3FC9]  }
0x92: {  	s4 =	sld [smem:$0x3FC7]  }
0x93: {  	s6 =	simm.s32 $0xA;
	s7 =	simm.s32 $0x10;
	s5 =	sld [smem:$0x3FC6]  }
0x94: {  	[smem:s7], [sflag:s6] =	dma.local [hbm:s2], $0x1  }
0x95: {  	_ =	swait.eq [sflag:s6], $0x1  }
0x96: {  	[sflag:s6] =	ssyncset.done $0x0  }
0x97: {  	s16 =	sld [smem:$0x10];
	[sflag:s6] =	ssyncadd.s32 $0xFFFFFFFF  }
0x98: {  	s17 =	sld [smem:$0x11];
	(tm) =	ssettm $0x1  }
0x99: {  	s18 =	sld [smem:$0x3FFB];
	_ =	sdelay $0x3  }
0x9a: {  	_ =	strace s18  }
0x9b: {  	s7 =	sld [smem:$0x3FFC];
	_ =	sdelay $0x3  }
0x9c: {  	_ =	strace s7  }
0x9d: {  	s7 =	sld [smem:$0x3FFD];
	_ =	sdelay $0x3  }
0x9e: {  	_ =	strace s7  }
0x9f: {  	_ =	strace $0x8FFFFFFF  }
0xa0: {  	s19 =	sld [smem:$0x3FDB];
	_ =	sdelay $0x1  }
0xa1: {  	s8 =	simm.s32 $_scs_section_size  }
0xa2: {  	s9 =	simm.s32 $_size__tile_overlayer_lowered;
	s10 =	simm.s32 $_tile_overlayer_lowered  }
0xa3: {  	s22 =	simm.s32 $0x1BFF;
	s21 =	sshll.u32 s10, $0x1;
	s7 =	sadd.s32 s8, s19  }
0xa4: {  	s11 =	simm.s32 $0x0;
	s20 =	sshll.u32 s9, $0x1;
	s9 =	sadd.s32 s21, s7  }
0xa5: {  	[timem:s11], [sflag:s22] =	dma.local [hbm:s9], s20  }
0xa6: {  	_ =	swait.ge [sflag:s22], s20  }
0xa7: {  	s8 =	ssub.s32 $0x0, s20;
	[sflag:s22] =	ssyncset.done $0x0  }
0xa8: {  	[sflag:s22] =	ssyncadd.s32 s8;
	_ =	sdelay $0x1  }
0xa9: {  	s23 =	simm.s32 $0x1B8B  }
0xaa: {  	_ =	swait.ge [sflag:s23], $0x1  }
0xab: {  	[sflag:s23] =	ssyncset.done $0x0  }
0xac: {  	s25 =	simm.s32 $0x1B8E;
	s24 =	sld [smem:$0x3FFE];
	[sflag:s23] =	ssyncadd.s32 $0xFFFFFFFF  }
0xad: {  	s26 =	simm.s32 $execute0_lowered;
	[smem:$0x3FD2] =	sst s25  }
0xae: {  	s9 =	sshll.u32 s26, $0x1;
	_ =	strace $0x80000046;
	[dreg:$0x1] =	wrdreg $0xFFFFFFFF  }
0xaf: {  	s28 =	simm.s32 $_size_execute0_lowered;
	s7 =	sadd.s32 s7, s9;
	[dreg:$0x0] =	wrdreg $0x0  }
0xb0: {  	s9 =	sshll.u32 s28, $0x1;
	[dreg:$0x2] =	wrdreg s7  }
0xb1: {  	[dreg:$0x3] =	wrdreg s9  }
0xb2: {  	[dreg:$0x4] =	wrdreg $0xC0  }
0xb3: {  	_ =	task [dreg:s11], $0x5FFFF  }
0xb4: {  	[dreg:$0x1] =	wrdreg $0xFFFFFFFF  }
0xb5: {  	[dreg:$0x0] =	wrdreg $0x60  }
0xb6: {  	[dreg:$0x2] =	wrdreg s17  }
0xb7: {  	[dreg:$0x3] =	wrdreg s15  }
0xb8: {  	[dreg:$0x4] =	wrdreg s4  }
0xb9: {  	[dreg:$0x5] =	wrdreg s5  }
0xba: {  	[dreg:$0x6] =	wrdreg s16  }
0xbb: {  	[dreg:$0x7] =	wrdreg s24  }
0xbc: {  	[dreg:$0x8] =	wrdreg $0x190000  }
0xbd: {  	[dreg:$0x9] =	wrdreg $0x9  }
0xbe: {  	_ =	task.clear_ibuf [dreg:s11], $0xAFFFF;
	_ =	strace $0x90000046  }
0xbf: {  	s29 =	simm.s32 $0x9;
	_ =	strace $0x80000048  }
0xc0: {  	_ =	swait.ge [sflag:s29], $0x1  }
0xc1: {  	[sflag:s29] =	ssyncadd.s32 $0xFFFFFFFF  }
0xc2: {  	_ =	strace $0x90000048  }
0xc3: {  	_ =	sfence  }
0xc4: {  	s30 =	sld [smem:$0x0];
	_ =	sdelay $0x2  }
0xc5: {  	s31 =	sshll.u32 s1, $0xD;
	s1 =	sshrl.u32 s1, $0x2  }
0xc6: {  	s3 =	sand.u32 $0x4000, s31;
	s1 =	sadd.s32 s1, s30  }
0xc7: {  	s0 =	sor.u32 s3, s0;
	s1 =	sshll.u32 s1, $0x11  }
0xc8: {  	s0 =	sor.u32 s1, s0  }
0xc9: {  	s0 =	sadd.s32 $0x8F2B, s0  }
0xca: {  	[sflag:s0] =	ssyncadd.remote.s32 $0x1  }
0xcb: {  	_ =	sfence.sel $0xFFFF  }
0xcc: {  	[dreg:$0x0] =	wrdreg $0xFFFFFFFF;
	(pc) =	sbr.abs _section_cstart, $3  }
0xcd: {  	[dreg:$0x1] =	wrdreg $0xFFFFFFFF  }
0xce: {  	_ =	task.clear_ibuf [dreg:s11], $0x2FFFF;
	_ =	strace $0x9FFFFFFF  }
0xcf: {  	(tm) =	ssettm $0x7FFFFFFF  }
tec
execute0_lowered:
.L_overlay_start_1:
0x0: {  	(tag) =	ssettag $0x1  }
0x1: {  	s1 =	rddreg [dreg:$0x1]  }
0x2: {  	s2 =	rddreg [dreg:$0x2]  }
0x3: {  	s4 =	rddreg [dreg:$0x3]  }
0x4: {  	s0 =	rddreg [dreg:$0x5]  }
0x5: {  	s6 =	rddreg [dreg:$0x6]  }
0x6: {  	s3 =	srdreg.scid;
	s7 =	simm.s32 $0x0;
	s11 =	stileid.u32  }
0x7: {  	s28 =	simm.s32 $0x1C080;
	s29 =	simm.s32 $0x1C880;
	s30 =	simm.s32 $0x1D080  }
0x8: {  	s31 =	simm.s32 $0x1;
	s12 =	simm.s32 $0x0;
	s3 =	sand.u32 $0x1, s3  }
0x9: {  	[smem:$0x7FF] =	sst s7;
	s8 =	smul.u32 $0x1880, s11;
	s9 =	sshll.u32 s11, $0x1  }
0xa: {  	s10 =	sadd.s32 $0x1200, s0;
	p0 =	sne.s32 s11, $0x0;
	s5 =	smul.u32 $0x18800, s3  }
0xb: {  	_ =	strace $0x80000047;
	s9 =	sor.u32 s3, s9;
	s3 =	ssub.s32 $0x2, s3  }
0xc: {  	[dreg:$0x8] =	wrdreg s10;
	s10 =	simm.s32 $0x4;
	s9 =	smul.u32 $0x30D40, s9  }
0xd: {  	s19 =	sshrl.u32 s3, $0x1;
	s26 =	sadd.s32 s8, s6;
	s5 =	sadd.s32 s8, s5  }
0xe: {  	s3 =	ssub.s32 s3, s19;
	s8 =	simm.s32 $0x2;
	s5 =	sshrl.u32 s5, $0x3  }
0xf: {  	s20 =	sshrl.u32 s9, $0x3;
	s13 =	sadd.s32 $0x800, s9;
	s3 =	smax.u32 s3, $0x1  }
0x10: {  	s14 =	sadd.s32 $0x1000, s9;
	s21 =	sadd.s32 s1, s20;
	[dreg:$0x10] =	wrdreg s3  }
0x11: {  	s9 =	simm.s32 $0x1E080;
	s22 =	sadd.s32 s2, s20;
	[dreg:$0x9] =	wrdreg s21  }
0x12: {  	s0 =	sadd.s32 s5, s0;
	s23 =	sadd.s32 s4, s20;
	[dreg:$0xa] =	wrdreg s22  }
0x13: {  	s5 =	sadd.s32 $0x6100, s20;
	s3 =	sshrl.u32 @!p0 s6, $0x3;
	[dreg:$0xb] =	wrdreg s23  }
0x14: {  	s20 =	simm.s32 $0x5;
	s24 =	sadd.s32 s1, s5;
	[dreg:$0x11] =	wrdreg s3  }
0x15: {  	s25 =	sadd.s32 s2, s5;
	s5 =	sadd.s32 s4, s5;
	[dreg:$0xc] =	wrdreg s24  }
0x16: {  	s0 =	sadd.s32 $0x1400, s0;
	s21 =	simm.s32 $0x18800;
	[dreg:$0xd] =	wrdreg s25  }
0x17: {  	s23 =	simm.s32 $0x1A880;
	s3 =	simm.s32 $0x800;
	[dreg:$0xe] =	wrdreg s5  }
0x18: {  	[dreg:$0xf] =	wrdreg s0;
	s24 =	simm.s32 $0x1B080;
	s25 =	sshrl.u32 s26, $0x3  }
0x19: {  	s26 =	simm.s32 $0x1B880;
	s0 =	simm.s32 $0x1D880;
	s5 =	simm.s32 $0x3  }
.LBB2_1:
0x1a: {  	s11 =	rddreg [dreg:$0x0]  }
0x1b: {  	[tilespmem:s7], [sflag:$0x5] =	stream.linear.gather [hbm4b:s11+s7], $0x18800, $0x38;
	[tilespmem:$0x1FD80] =	vst v63  }
0x1c: {  	_ =	swait.ge [sflag:s20], $0x18800  }
0x1d: {  	[sflag:s20] =	ssyncset.done $0x0  }
0x1e: {  	s17 =	rddreg [dreg:$0x8];
	[sflag:s20] =	ssyncadd.s32 $0xFFFE7800  }
0x1f: {  	[tilespmem:s21], [sflag:$0x5] =	stream.linear.gather [hbm4b:s17+s7], $0x800, $0x38;
	[tilespmem:$0x1FD80] =	vst v63  }
0x20: {  	_ =	swait.ge [sflag:s20], $0x800  }
0x21: {  	[sflag:s20] =	ssyncset.done $0x0  }
0x22: {  	s16 =	rddreg [dreg:$0x11];
	[sflag:s20] =	ssyncadd.s32 $0xFFFFF800  }
0x23: {  	s11 =	simm.s32 @!p0 $0x1C05;
	s15 =	rddreg [dreg:$0x4]  }
0x24: {  	[spmem:s16], [sflag:s11] =	dma.local @!p0 [hbm:s15], $0x3100  }
0x25: {  	s11 =	simm.s32 @!p0 $0x5  }
0x26: {  	_ =	swait.ge @!p0 [sflag:s11], $0x3100  }
0x27: {  	[sflag:s11] =	ssyncset.done @!p0 $0x0  }
0x28: {  	[sflag:s11] =	ssyncadd.s32 @!p0 $0xFFFFCF00  }
0x29: {  	[bflag:$0x0] =	sbarrier.arrive $0xFFFF  }
0x2a: {  	s18 =	rddreg [dreg:$0x9]  }
0x2b: {  	[tilespmem:s23], [sflag:$0x1] =	stream.linear.gather [hbm4b:s18+s7], $0x800, $0x38;
	[tilespmem:$0x1FD80] =	vst v63  }
0x2c: {  	s19 =	rddreg [dreg:$0xa]  }
0x2d: {  	[tilespmem:s24], [sflag:$0x1] =	stream.linear.gather [hbm4b:s19+s7], $0x800, $0x38;
	[tilespmem:$0x1FD80] =	vst v63  }
0x2e: {  	s15 =	simm.s32 $0x0;
	s22 =	rddreg [dreg:$0xb]  }
0x2f: {  	[tilespmem:s26], [sflag:$0x1] =	stream.linear.gather [hbm4b:s22+s7], $0x800, $0x38;
	[tilespmem:$0x1FD80] =	vst v63  }
.LBB2_2:
0x30: {  	p1 =	seq.s32 s15, $0x0  }
0x31: {  	s16 =	sshll.u32 s15, $0xC;
	s11 =	simm.s32 @!p1 $0x4  }
0x32: {  	s17 =	sadd.s32 s16, s13;
	_ =	swait.ge @!p1 [sflag:s11], $0x800  }
0x33: {  	s17 =	sshrl.u32 s17, $0x3;
	[sflag:s11] =	ssyncset.done @!p1 $0x0  }
0x34: {  	s18 =	sadd.s32 s1, s17;
	[sflag:s11] =	ssyncadd.s32 @!p1 $0xFFFFF800  }
0x35: {  	[tilespmem:s28], [sflag:$0x2] =	stream.linear.gather [hbm4b:s18+s7], $0x800, $0x38;
	[tilespmem:$0x1FD80] =	vst v63  }
0x36: {  	s19 =	sadd.s32 s2, s17  }
0x37: {  	[tilespmem:s29], [sflag:$0x2] =	stream.linear.gather [hbm4b:s19+s7], $0x800, $0x38;
	[tilespmem:$0x1FD80] =	vst v63  }
0x38: {  	s22 =	sadd.s32 s4, s17  }
0x39: {  	[tilespmem:s30], [sflag:$0x2] =	stream.linear.gather [hbm4b:s22+s7], $0x800, $0x38;
	[tilespmem:$0x1FD80] =	vst v63  }
0x3a: {  	_ =	swait.ge [sflag:s31], $0x800  }
0x3b: {  	[sflag:s31] =	ssyncset.done $0x0  }
0x3c: {  	[sflag:s31] =	ssyncadd.s32 $0xFFFFF800  }
0x3d: {  	_ =	swait.ge [sflag:s31], $0x800  }
0x3e: {  	[sflag:s31] =	ssyncset.done $0x0  }
0x3f: {  	[sflag:s31] =	ssyncadd.s32 $0xFFFFF800  }
0x40: {  	_ =	swait.ge [sflag:s31], $0x800  }
0x41: {  	[sflag:s31] =	ssyncset.done $0x0  }
0x42: {  	s17 =	simm.s32 $0x1A8A0;
	[sflag:s31] =	ssyncadd.s32 $0xFFFFF800  }
0x43: {  	v0 =	vld [tilespmem:s17+$0x10]  }
0x44: {  	v1 =	vld [tilespmem:s17+$0xFFFFFFE0]  }
0x45: {  	v2 =	vld [tilespmem:s17+$0xFFFFFFF0]  }
0x46: {  	s18 =	simm.s32 $0x1B0A0;
	v4 =	vld [tilespmem:s17+$0x0]  }
0x47: {  	s19 =	simm.s32 $0x1B8A0;
	v5 =	vld [tilespmem:s18+$0x10]  }
0x48: {  	v7 =	vld [tilespmem:s19+$0x10];
	v0 =	vadd.f32 $-2.000000030e-01, v0  }
0x49: {  	v9 =	vld [tilespmem:s19+$0xFFFFFFE0]  }
0x4a: {  	v11 =	vld [tilespmem:s18+$0xFFFFFFF0];
	v0 =	vmul.f32 $2.088775480e+02, v0  }
0x4b: {  	v13 =	vld [tilespmem:s19+$0xFFFFFFF0]  }
0x4c: {  	v15 =	vld [tilespmem:s18+$0x0];
	v1 =	vadd.f32 $-2.000000030e-01, v1;
	v3 =	vtrunc.f32 v0  }
0x4d: {  	v18 =	vld [tilespmem:s19+$0x0];
	v4 =	vadd.f32 $-2.000000030e-01, v4;
	v3 =	vcvt.f32.s32 v3  }
0x4e: {  	s22 =	simm.s32 $0x1A8E0;
	v19 =	vld [tilespmem:s18+$0xFFFFFFE0];
	v1 =	vmul.f32 $2.088775480e+02, v1  }
0x4f: {  	v21 =	vld [tilespmem:s22+$0x10];
	v4 =	vmul.f32 $2.088775480e+02, v4;
	vm0 =	vlt.s32 v3, $0x7FE  }
0x50: {  	v22 =	vld [tilespmem:s22+$0xFFFFFFE0];
	v2 =	vadd.f32 $-2.000000030e-01, v2;
	v8 =	vtrunc.f32 v1;
	v3 =	vnsel vm0, $0x7FE, v3  }
0x51: {  	v23 =	vld [tilespmem:s22+$0xFFFFFFF0];
	v16 =	vtrunc.f32 v4;
	v8 =	vcvt.f32.s32 v8;
	v6 =	vadd.s32 $0x1, v3  }
0x52: {  	v24 =	vld [tilespmem:s22+$0x0];
	v16 =	vcvt.f32.s32 v16  }
0x53: {  	v2 =	vmul.f32 $2.088775480e+02, v2;
	v5 =	vld.idx.msk [tilespmem:v5+s7+$0x0], $0xffff;
	vm10 =	vlt.s32 v8, $0x7FE  }
0x54: {  	v7 =	vld.idx.msk [tilespmem:v7+s7+$0x0], $0xffff;
	vm12 =	vlt.s32 v16, $0x7FE;
	v8 =	vnsel vm10, $0x7FE, v8  }
0x55: {  	v10 =	vtrunc.f32 v2;
	v16 =	vnsel vm12, $0x7FE, v16;
	v12 =	vld.idx.msk [tilespmem:v3+s21+$0x0], $0xffff  }
0x56: {  	s18 =	simm.s32 $0x1B8E0;
	v10 =	vcvt.f32.s32 v10;
	v14 =	vadd.s32 $0x1, v8;
	v6 =	vld.idx.msk [tilespmem:v6+s21+$0x0], $0xffff  }
0x57: {  	v29 =	vld [tilespmem:s18+$0x10];
	v20 =	vadd.s32 $0x1, v16  }
0x58: {  	v61 =	vld.idx.msk [tilespmem:v9+s7+$0x0], $0xffff;
	vm11 =	vlt.s32 v10, $0x7FE;
	v3 =	vcvt.s32.f32 v3  }
0x59: {  	v10 =	vnsel vm11, $0x7FE, v10;
	v5 =	vmul.f32 v7, v5;
	v60 =	vld.idx.msk [tilespmem:v8+s21+$0x0], $0xffff  }
0x5a: {  	v7 =	vadd.f32 $-2.000000030e-01, v24;
	v17 =	vadd.s32 $0x1, v10;
	v26 =	vld.idx.msk [tilespmem:v16+s21+$0x0], $0xffff;
	v0 =	vsub.f32 v0, v3  }
0x5b: {  	v8 =	vcvt.s32.f32 v8;
	v14 =	vld.idx.msk [tilespmem:v14+s21+$0x0], $0xffff;
	v3 =	vsub.f32 v6, v12;
	v6 =	vadd.f32 $-2.000000030e-01, v21  }
0x5c: {  	v27 =	vmul.f32 $2.088775480e+02, v7;
	v20 =	vld.idx.msk [tilespmem:v20+s21+$0x0], $0xffff  }
0x5d: {  	v11 =	vld.idx.msk [tilespmem:v11+s7+$0x0], $0xffff;
	v1 =	vsub.f32 v1, v8;
	v0 =	vmul.f32 v0, v3;
	v25 =	vmul.f32 $2.088775480e+02, v6  }
0x5e: {  	v8 =	vadd.f32 $-2.000000030e-01, v22;
	v3 =	vld.idx.msk [tilespmem:v10+s21+$0x0], $0xffff;
	v10 =	vcvt.s32.f32 v10;
	v6 =	vcvt.s32.f32 v16  }
0x5f: {  	v16 =	vadd.f32 $-2.000000030e-01, v23;
	v0 =	vadd.f32 v0, v12;
	v12 =	vld.idx.msk [tilespmem:v19+s7+$0x0], $0xffff;
	v19 =	vtrunc.f32 v25  }
0x60: {  	v17 =	vld.idx.msk [tilespmem:v17+s21+$0x0], $0xffff;
	v62 =	vmul.f32 $2.088775480e+02, v8;
	v14 =	vsub.f32 v14, v60;
	v9 =	vcvt.f32.s32 v19  }
0x61: {  	v15 =	vld.idx.msk [tilespmem:v15+s7+$0x0], $0xffff;
	v20 =	vsub.f32 v20, v26;
	v63 =	vmul.f32 $2.088775480e+02, v16;
	v19 =	vsub.f32 v2, v10  }
0x62: {  	v18 =	vld.idx.msk [tilespmem:v18+s7+$0x0], $0xffff;
	v2 =	vtrunc.f32 v62;
	v0 =	vmul.f32 v0, v5;
	vm13 =	vlt.s32 v9, $0x7FE  }
0x63: {  	s17 =	simm.s32 $0x1B0E0;
	v16 =	vld.idx.msk [tilespmem:v13+s7+$0x0], $0xffff;
	v7 =	vcvt.f32.s32 v2;
	v2 =	vtrunc.f32 v27;
	v28 =	vnsel vm13, $0x7FE, v9  }
0x64: {  	v13 =	vld [tilespmem:s17+$0x10];
	v5 =	vtrunc.f32 v63;
	v10 =	vcvt.f32.s32 v2;
	v8 =	vadd.s32 $0x1, v28  }
0x65: {  	v17 =	vsub.f32 v17, v3;
	v2 =	vld [tilespmem:s18+$0xFFFFFFE0];
	v9 =	vsub.f32 v4, v6;
	v6 =	vcvt.f32.s32 v5  }
0x66: {  	v1 =	vmul.f32 v1, v14;
	vm14 =	vlt.s32 v7, $0x7FE;
	v4 =	vld [tilespmem:s17+$0xFFFFFFF0];
	vm1 =	vlt.s32 v10, $0x7FE  }
0x67: {  	v17 =	vmul.f32 v19, v17;
	vm15 =	vlt.s32 v6, $0x7FE;
	v19 =	vmul.f32 v9, v20;
	v9 =	vld [tilespmem:s17+$0x0]  }
0x68: {  	v5 =	vnsel vm14, $0x7FE, v7;
	v7 =	vnsel vm15, $0x7FE, v6;
	v6 =	vnsel vm1, $0x7FE, v10;
	v10 =	vld.idx.msk [tilespmem:v28+s21+$0x0], $0xffff  }
0x69: {  	v15 =	vmul.f32 v18, v15;
	v1 =	vadd.f32 v1, v60;
	v12 =	vmul.f32 v61, v12;
	v32 =	vld.idx.msk [tilespmem:v8+s21+$0x0], $0xffff  }
0x6a: {  	v30 =	vadd.s32 $0x1, v5;
	v3 =	vadd.f32 v17, v3;
	v17 =	vmul.f32 v16, v11;
	v16 =	vld.idx.msk [tilespmem:v29+s7+$0x0], $0xffff  }
0x6b: {  	v31 =	vcvt.s32.f32 v5;
	v1 =	vmul.f32 v1, v12;
	v11 =	vld [tilespmem:s18+$0x0];
	v33 =	vadd.s32 $0x1, v7  }
0x6c: {  	s11 =	simm.s32 $0x1D8A0;
	v14 =	vcvt.s32.f32 v7;
	v13 =	vld.idx.msk [tilespmem:v13+s7+$0x0], $0xffff;
	v18 =	vadd.f32 v19, v26;
	v19 =	vcvt.s32.f32 v28  }
0x6d: {  	[tilespmem:s11+$0x10] =	vst v0;
	v12 =	vcvt.s32.f32 v6;
	v3 =	vmul.f32 v3, v17;
	v17 =	vld [tilespmem:s17+$0xFFFFFFE0]  }
0x6e: {  	[tilespmem:s11+$0xFFFFFFE0] =	vst v1;
	v8 =	vld [tilespmem:s18+$0xFFFFFFF0];
	v20 =	vmul.f32 v18, v15;
	v18 =	vsub.f32 v25, v19;
	v19 =	vsub.f32 v32, v10  }
0x6f: {  	v0 =	vsub.f32 v62, v31;
	v1 =	vsub.f32 v63, v14;
	v15 =	vld.idx.msk [tilespmem:v30+s21+$0x0], $0xffff;
	[tilespmem:s11+$0xFFFFFFF0] =	vst v3  }
0x70: {  	s19 =	simm.s32 $0x40;
	s22 =	simm.s32 $0x1A920;
	v14 =	vadd.s32 $0x1, v6;
	v3 =	vsub.f32 v27, v12;
	[tilespmem:s11+$0x0] =	vst v20;
	v12 =	vld.idx.msk [tilespmem:v33+s21+$0x0], $0xffff;
	v18 =	vmul.f32 v18, v19  }
.LBB2_3:
0x71: {  	v19 =	vld [tilespmem:s22+$0x10];
	s19 =	sadd.s32 $0x40, s19  }
0x72: {  	v13 =	vmul.f32 v16, v13;
	v20 =	vld [tilespmem:s22+$0xFFFFFFE0];
	p1 =	slt.u32 s19, $0x7C0;
	v10 =	vadd.f32 v18, v10  }
0x73: {  	v16 =	vld [tilespmem:s22+$0xFFFFFFF0]  }
0x74: {  	v18 =	vld [tilespmem:s22+$0x0];
	v10 =	vmul.f32 v10, v13  }
0x75: {  	s11 =	sadd.s32 $0x40, s11;
	v13 =	vld.idx.msk [tilespmem:v14+s21+$0x0], $0xffff  }
0x76: {  	v14 =	vadd.f32 $-2.000000030e-01, v19;
	v19 =	vld.idx.msk [tilespmem:v5+s21+$0x0], $0xffff;
	[tilespmem:s11+$0x10] =	vst v10  }
0x77: {  	v5 =	vadd.f32 $-2.000000030e-01, v20;
	v20 =	vld.idx.msk [tilespmem:v7+s21+$0x0], $0xffff  }
0x78: {  	v7 =	vadd.f32 $-2.000000030e-01, v16;
	v21 =	vmul.f32 $2.088775480e+02, v14;
	v16 =	vld.idx.msk [tilespmem:v6+s21+$0x0], $0xffff  }
0x79: {  	v22 =	vmul.f32 $2.088775480e+02, v5;
	v5 =	vadd.f32 $-2.000000030e-01, v18;
	v17 =	vld.idx.msk [tilespmem:v17+s7+$0x0], $0xffff  }
0x7a: {  	v18 =	vmul.f32 $2.088775480e+02, v7;
	v6 =	vtrunc.f32 v21;
	v23 =	vld.idx.msk [tilespmem:v2+s7+$0x0], $0xffff  }
0x7b: {  	v24 =	vmul.f32 $2.088775480e+02, v5;
	v2 =	vcvt.f32.s32 v6;
	v25 =	vld.idx.msk [tilespmem:v4+s7+$0x0], $0xffff  }
0x7c: {  	v4 =	vtrunc.f32 v22;
	v15 =	vsub.f32 v15, v19;
	v5 =	vtrunc.f32 v18;
	v26 =	vld.idx.msk [tilespmem:v8+s7+$0x0], $0xffff  }
0x7d: {  	v4 =	vcvt.f32.s32 v4;
	v6 =	vtrunc.f32 v24;
	vm0 =	vlt.s32 v2, $0x7FE;
	v27 =	vld.idx.msk [tilespmem:v9+s7+$0x0], $0xffff  }
0x7e: {  	s17 =	sadd.s32 $0x40, s17;
	v7 =	vcvt.f32.s32 v5;
	v6 =	vcvt.f32.s32 v6;
	v28 =	vnsel vm0, $0x7FE, v2;
	v11 =	vld.idx.msk [tilespmem:v11+s7+$0x0], $0xffff  }
0x7f: {  	s18 =	sadd.s32 $0x40, s18;
	v9 =	vsub.f32 v12, v20;
	vm0 =	vlt.s32 v4, $0x7FE;
	v29 =	vld [tilespmem:s17+$0x10];
	v8 =	vadd.s32 $0x1, v28  }
0x80: {  	v5 =	vnsel vm0, $0x7FE, v4;
	vm0 =	vlt.s32 v7, $0x7FE;
	vm1 =	vlt.s32 v6, $0x7FE;
	v12 =	vld [tilespmem:s18+$0x10]  }
0x81: {  	v30 =	vadd.s32 $0x1, v5;
	v7 =	vnsel vm0, $0x7FE, v7;
	v2 =	vld [tilespmem:s18+$0xFFFFFFE0];
	v6 =	vnsel vm1, $0x7FE, v6  }
0x82: {  	v31 =	vcvt.s32.f32 v5;
	v32 =	vadd.s32 $0x1, v7;
	v4 =	vld [tilespmem:s17+$0xFFFFFFF0];
	v14 =	vadd.s32 $0x1, v6  }
0x83: {  	v13 =	vsub.f32 v13, v16;
	v33 =	vcvt.s32.f32 v7;
	v34 =	vcvt.s32.f32 v6;
	v10 =	vld.idx.msk [tilespmem:v28+s21+$0x0], $0xffff  }
0x84: {  	v15 =	vmul.f32 v0, v15;
	v0 =	vsub.f32 v22, v31;
	v22 =	vmul.f32 v1, v9;
	v35 =	vld.idx.msk [tilespmem:v8+s21+$0x0], $0xffff  }
0x85: {  	v1 =	vsub.f32 v18, v33;
	v18 =	vmul.f32 v3, v13;
	v3 =	vsub.f32 v24, v34;
	v8 =	vld [tilespmem:s18+$0xFFFFFFF0]  }
0x86: {  	v15 =	vadd.f32 v15, v19;
	v17 =	vmul.f32 v23, v17;
	v19 =	vadd.f32 v22, v20;
	v9 =	vld [tilespmem:s17+$0x0]  }
0x87: {  	v20 =	vmul.f32 v26, v25;
	v22 =	vmul.f32 v11, v27;
	v18 =	vadd.f32 v18, v16;
	v13 =	vld.idx.msk [tilespmem:v29+s7+$0x0], $0xffff  }
.Ltmp0:
0x88: {  	v15 =	vmul.f32 v15, v17;
	v16 =	vld.idx.msk [tilespmem:v12+s7+$0x0], $0xffff;
	v12 =	vcvt.s32.f32 v28;
	(pc) =	sbr.rel @p1 .LBB2_3-.Ltmp0, $4  }
0x89: {  	v19 =	vmul.f32 v19, v20;
	v20 =	vmul.f32 v18, v22;
	v11 =	vld [tilespmem:s18+$0x0]  }
0x8a: {  	v17 =	vld [tilespmem:s17+$0xFFFFFFE0];
	v18 =	vsub.f32 v21, v12;
	v21 =	vsub.f32 v35, v10;
	[tilespmem:s11+$0xFFFFFFE0] =	vst v15  }
0x8b: {  	v15 =	vld.idx.msk [tilespmem:v30+s21+$0x0], $0xffff;
	[tilespmem:s11+$0xFFFFFFF0] =	vst v19  }
0x8c: {  	s22 =	sadd.s32 $0x40, s22;
	v12 =	vld.idx.msk [tilespmem:v32+s21+$0x0], $0xffff;
	v18 =	vmul.f32 v18, v21;
	[tilespmem:s11+$0x0] =	vst v20  }
0x8d: {  	_ =	sdelay $0x3  }
0x8e: {  	v14 =	vld.idx.msk [tilespmem:v14+s21+$0x0], $0xffff  }
0x8f: {  	v5 =	vld.idx.msk [tilespmem:v5+s21+$0x0], $0xffff  }
0x90: {  	v7 =	vld.idx.msk [tilespmem:v7+s21+$0x0], $0xffff  }
0x91: {  	v6 =	vld.idx.msk [tilespmem:v6+s21+$0x0], $0xffff  }
0x92: {  	v2 =	vld.idx.msk [tilespmem:v2+s7+$0x0], $0xffff  }
0x93: {  	v4 =	vld.idx.msk [tilespmem:v4+s7+$0x0], $0xffff  }
0x94: {  	v8 =	vld.idx.msk [tilespmem:v8+s7+$0x0], $0xffff  }
0x95: {  	v17 =	vld.idx.msk [tilespmem:v17+s7+$0x0], $0xffff  }
0x96: {  	v9 =	vld.idx.msk [tilespmem:v9+s7+$0x0], $0xffff;
	v15 =	vsub.f32 v15, v5  }
0x97: {  	v11 =	vld.idx.msk [tilespmem:v11+s7+$0x0], $0xffff;
	v12 =	vsub.f32 v12, v7  }
0x98: {  	v14 =	vsub.f32 v14, v6;
	v0 =	vmul.f32 v0, v15  }
0x99: {  	v13 =	vmul.f32 v16, v13;
	v10 =	vadd.f32 v18, v10;
	v1 =	vmul.f32 v1, v12  }
0x9a: {  	v3 =	vmul.f32 v3, v14;
	v2 =	vmul.f32 v2, v17;
	v0 =	vadd.f32 v0, v5  }
0x9b: {  	v4 =	vmul.f32 v8, v4;
	v5 =	vmul.f32 v10, v13;
	v1 =	vadd.f32 v1, v7  }
0x9c: {  	s11 =	sadd.s32 $0x40, s11;
	v3 =	vadd.f32 v3, v6;
	v6 =	vmul.f32 v11, v9;
	v0 =	vmul.f32 v0, v2  }
0x9d: {  	[tilespmem:s11+$0x10] =	vst v5;
	v1 =	vmul.f32 v1, v4  }
0x9e: {  	v2 =	vmul.f32 v3, v6;
	[tilespmem:s11+$0xFFFFFFE0] =	vst v0  }
0x9f: {  	[tilespmem:s11+$0xFFFFFFF0] =	vst v1  }
0xa0: {  	[tilespmem:s11+$0x0] =	vst v2  }
0xa1: {  	[spmem:s6] =	stream.indirect.scatter.add.f32 [tilespmem:s0], [sflag:$0x3], $0x1, s24, s3, $0xb8;
	[tilespmem:$0x1FD80] =	vst v63  }
0xa2: {  	s18 =	sadd.s32 s16, s14;
	_ =	swait.ge [sflag:s5], $0x800  }
0xa3: {  	s11 =	sshrl.u32 s18, $0x3;
	[sflag:s5] =	ssyncset.done $0x0  }
0xa4: {  	s19 =	sadd.s32 s1, s11;
	[sflag:s5] =	ssyncadd.s32 $0xFFFFF800  }
0xa5: {  	[tilespmem:s23], [sflag:$0x1] =	stream.linear.gather [hbm4b:s19+s7], $0x800, $0x38;
	[tilespmem:$0x1FD80] =	vst v63  }
0xa6: {  	s22 =	sadd.s32 s2, s11  }
0xa7: {  	[tilespmem:s24], [sflag:$0x1] =	stream.linear.gather [hbm4b:s22+s7], $0x800, $0x38;
	[tilespmem:$0x1FD80] =	vst v63  }
0xa8: {  	s11 =	sadd.s32 s4, s11  }
0xa9: {  	[tilespmem:s26], [sflag:$0x1] =	stream.linear.gather [hbm4b:s11+s7], $0x800, $0x38;
	[tilespmem:$0x1FD80] =	vst v63  }
0xaa: {  	_ =	swait.ge [sflag:s8], $0x800  }
0xab: {  	[sflag:s8] =	ssyncset.done $0x0  }
0xac: {  	[sflag:s8] =	ssyncadd.s32 $0xFFFFF800  }
0xad: {  	_ =	swait.ge [sflag:s8], $0x800  }
0xae: {  	[sflag:s8] =	ssyncset.done $0x0  }
0xaf: {  	[sflag:s8] =	ssyncadd.s32 $0xFFFFF800  }
0xb0: {  	_ =	swait.ge [sflag:s8], $0x800  }
0xb1: {  	[sflag:s8] =	ssyncset.done $0x0  }
0xb2: {  	s17 =	simm.s32 $0x1C0A0;
	[sflag:s8] =	ssyncadd.s32 $0xFFFFF800  }
0xb3: {  	v0 =	vld [tilespmem:s17+$0x10]  }
0xb4: {  	v1 =	vld [tilespmem:s17+$0xFFFFFFE0]  }
0xb5: {  	v2 =	vld [tilespmem:s17+$0xFFFFFFF0]  }
0xb6: {  	s18 =	simm.s32 $0x1C8A0;
	v4 =	vld [tilespmem:s17+$0x0]  }
0xb7: {  	s19 =	simm.s32 $0x1D0A0;
	v5 =	vld [tilespmem:s18+$0x10]  }
0xb8: {  	v7 =	vld [tilespmem:s19+$0x10];
	v0 =	vadd.f32 $-2.000000030e-01, v0  }
0xb9: {  	v9 =	vld [tilespmem:s19+$0xFFFFFFE0]  }
0xba: {  	v11 =	vld [tilespmem:s18+$0xFFFFFFF0];
	v0 =	vmul.f32 $2.088775480e+02, v0  }
0xbb: {  	v13 =	vld [tilespmem:s19+$0xFFFFFFF0]  }
0xbc: {  	v15 =	vld [tilespmem:s18+$0x0];
	v1 =	vadd.f32 $-2.000000030e-01, v1;
	v3 =	vtrunc.f32 v0  }
0xbd: {  	v18 =	vld [tilespmem:s19+$0x0];
	v4 =	vadd.f32 $-2.000000030e-01, v4;
	v3 =	vcvt.f32.s32 v3  }
0xbe: {  	s22 =	simm.s32 $0x1C0E0;
	v19 =	vld [tilespmem:s18+$0xFFFFFFE0];
	v1 =	vmul.f32 $2.088775480e+02, v1  }
0xbf: {  	v21 =	vld [tilespmem:s22+$0x10];
	v4 =	vmul.f32 $2.088775480e+02, v4;
	vm0 =	vlt.s32 v3, $0x7FE  }
0xc0: {  	v22 =	vld [tilespmem:s22+$0xFFFFFFE0];
	v2 =	vadd.f32 $-2.000000030e-01, v2;
	v8 =	vtrunc.f32 v1;
	v3 =	vnsel vm0, $0x7FE, v3  }
0xc1: {  	v23 =	vld [tilespmem:s22+$0xFFFFFFF0];
	v16 =	vtrunc.f32 v4;
	v8 =	vcvt.f32.s32 v8;
	v6 =	vadd.s32 $0x1, v3  }
0xc2: {  	v24 =	vld [tilespmem:s22+$0x0];
	v16 =	vcvt.f32.s32 v16  }
0xc3: {  	v2 =	vmul.f32 $2.088775480e+02, v2;
	v5 =	vld.idx.msk [tilespmem:v5+s7+$0x0], $0xffff;
	vm10 =	vlt.s32 v8, $0x7FE  }
0xc4: {  	v7 =	vld.idx.msk [tilespmem:v7+s7+$0x0], $0xffff;
	vm12 =	vlt.s32 v16, $0x7FE;
	v8 =	vnsel vm10, $0x7FE, v8  }
0xc5: {  	v10 =	vtrunc.f32 v2;
	v16 =	vnsel vm12, $0x7FE, v16;
	v12 =	vld.idx.msk [tilespmem:v3+s21+$0x0], $0xffff  }
0xc6: {  	s17 =	simm.s32 $0x1D0E0;
	v10 =	vcvt.f32.s32 v10;
	v14 =	vadd.s32 $0x1, v8;
	v6 =	vld.idx.msk [tilespmem:v6+s21+$0x0], $0xffff  }
0xc7: {  	v29 =	vld [tilespmem:s17+$0x10];
	v20 =	vadd.s32 $0x1, v16  }
0xc8: {  	v61 =	vld.idx.msk [tilespmem:v9+s7+$0x0], $0xffff;
	vm11 =	vlt.s32 v10, $0x7FE;
	v3 =	vcvt.s32.f32 v3  }
0xc9: {  	v10 =	vnsel vm11, $0x7FE, v10;
	v5 =	vmul.f32 v7, v5;
	v60 =	vld.idx.msk [tilespmem:v8+s21+$0x0], $0xffff  }
0xca: {  	v7 =	vadd.f32 $-2.000000030e-01, v24;
	v17 =	vadd.s32 $0x1, v10;
	v26 =	vld.idx.msk [tilespmem:v16+s21+$0x0], $0xffff;
	v0 =	vsub.f32 v0, v3  }
0xcb: {  	v8 =	vcvt.s32.f32 v8;
	v14 =	vld.idx.msk [tilespmem:v14+s21+$0x0], $0xffff;
	v3 =	vsub.f32 v6, v12;
	v6 =	vadd.f32 $-2.000000030e-01, v21  }
0xcc: {  	v27 =	vmul.f32 $2.088775480e+02, v7;
	v20 =	vld.idx.msk [tilespmem:v20+s21+$0x0], $0xffff  }
0xcd: {  	v11 =	vld.idx.msk [tilespmem:v11+s7+$0x0], $0xffff;
	v1 =	vsub.f32 v1, v8;
	v0 =	vmul.f32 v0, v3;
	v25 =	vmul.f32 $2.088775480e+02, v6  }
0xce: {  	v8 =	vadd.f32 $-2.000000030e-01, v22;
	v3 =	vld.idx.msk [tilespmem:v10+s21+$0x0], $0xffff;
	v10 =	vcvt.s32.f32 v10;
	v6 =	vcvt.s32.f32 v16  }
0xcf: {  	v16 =	vadd.f32 $-2.000000030e-01, v23;
	v0 =	vadd.f32 v0, v12;
	v12 =	vld.idx.msk [tilespmem:v19+s7+$0x0], $0xffff;
	v19 =	vtrunc.f32 v25  }
0xd0: {  	v17 =	vld.idx.msk [tilespmem:v17+s21+$0x0], $0xffff;
	v62 =	vmul.f32 $2.088775480e+02, v8;
	v14 =	vsub.f32 v14, v60;
	v9 =	vcvt.f32.s32 v19  }
0xd1: {  	v15 =	vld.idx.msk [tilespmem:v15+s7+$0x0], $0xffff;
	v20 =	vsub.f32 v20, v26;
	v63 =	vmul.f32 $2.088775480e+02, v16;
	v19 =	vsub.f32 v2, v10  }
0xd2: {  	v18 =	vld.idx.msk [tilespmem:v18+s7+$0x0], $0xffff;
	v2 =	vtrunc.f32 v62;
	v0 =	vmul.f32 v0, v5;
	vm13 =	vlt.s32 v9, $0x7FE  }
0xd3: {  	s16 =	simm.s32 $0x1C8E0;
	v16 =	vld.idx.msk [tilespmem:v13+s7+$0x0], $0xffff;
	v7 =	vcvt.f32.s32 v2;
	v2 =	vtrunc.f32 v27;
	v28 =	vnsel vm13, $0x7FE, v9  }
0xd4: {  	v13 =	vld [tilespmem:s16+$0x10];
	v5 =	vtrunc.f32 v63;
	v10 =	vcvt.f32.s32 v2;
	v8 =	vadd.s32 $0x1, v28  }
0xd5: {  	v17 =	vsub.f32 v17, v3;
	v2 =	vld [tilespmem:s17+$0xFFFFFFE0];
	v9 =	vsub.f32 v4, v6;
	v6 =	vcvt.f32.s32 v5  }
0xd6: {  	v1 =	vmul.f32 v1, v14;
	vm14 =	vlt.s32 v7, $0x7FE;
	v4 =	vld [tilespmem:s16+$0xFFFFFFF0];
	vm1 =	vlt.s32 v10, $0x7FE  }
0xd7: {  	v17 =	vmul.f32 v19, v17;
	vm15 =	vlt.s32 v6, $0x7FE;
	v19 =	vmul.f32 v9, v20;
	v9 =	vld [tilespmem:s16+$0x0]  }
0xd8: {  	v5 =	vnsel vm14, $0x7FE, v7;
	v7 =	vnsel vm15, $0x7FE, v6;
	v6 =	vnsel vm1, $0x7FE, v10;
	v10 =	vld.idx.msk [tilespmem:v28+s21+$0x0], $0xffff  }
0xd9: {  	v15 =	vmul.f32 v18, v15;
	v1 =	vadd.f32 v1, v60;
	v12 =	vmul.f32 v61, v12;
	v32 =	vld.idx.msk [tilespmem:v8+s21+$0x0], $0xffff  }
0xda: {  	v30 =	vadd.s32 $0x1, v5;
	v3 =	vadd.f32 v17, v3;
	v17 =	vmul.f32 v16, v11;
	v16 =	vld.idx.msk [tilespmem:v29+s7+$0x0], $0xffff  }
0xdb: {  	v31 =	vcvt.s32.f32 v5;
	v1 =	vmul.f32 v1, v12;
	v11 =	vld [tilespmem:s17+$0x0];
	v33 =	vadd.s32 $0x1, v7  }
0xdc: {  	s11 =	simm.s32 $0x1E0A0;
	v14 =	vcvt.s32.f32 v7;
	v13 =	vld.idx.msk [tilespmem:v13+s7+$0x0], $0xffff;
	v18 =	vadd.f32 v19, v26;
	v19 =	vcvt.s32.f32 v28  }
0xdd: {  	[tilespmem:s11+$0x10] =	vst v0;
	v12 =	vcvt.s32.f32 v6;
	v3 =	vmul.f32 v3, v17;
	v17 =	vld [tilespmem:s16+$0xFFFFFFE0]  }
0xde: {  	[tilespmem:s11+$0xFFFFFFE0] =	vst v1;
	v8 =	vld [tilespmem:s17+$0xFFFFFFF0];
	v20 =	vmul.f32 v18, v15;
	v18 =	vsub.f32 v25, v19;
	v19 =	vsub.f32 v32, v10  }
0xdf: {  	v0 =	vsub.f32 v62, v31;
	v1 =	vsub.f32 v63, v14;
	v15 =	vld.idx.msk [tilespmem:v30+s21+$0x0], $0xffff;
	[tilespmem:s11+$0xFFFFFFF0] =	vst v3  }
0xe0: {  	s18 =	simm.s32 $0x40;
	s19 =	simm.s32 $0x1C120;
	v14 =	vadd.s32 $0x1, v6;
	v3 =	vsub.f32 v27, v12;
	[tilespmem:s11+$0x0] =	vst v20;
	v12 =	vld.idx.msk [tilespmem:v33+s21+$0x0], $0xffff;
	v18 =	vmul.f32 v18, v19  }
.LBB2_5:
0xe1: {  	v19 =	vld [tilespmem:s19+$0x10];
	s18 =	sadd.s32 $0x40, s18  }
0xe2: {  	v13 =	vmul.f32 v16, v13;
	v20 =	vld [tilespmem:s19+$0xFFFFFFE0];
	p1 =	slt.u32 s18, $0x7C0;
	v10 =	vadd.f32 v18, v10  }
0xe3: {  	v16 =	vld [tilespmem:s19+$0xFFFFFFF0]  }
0xe4: {  	v18 =	vld [tilespmem:s19+$0x0];
	v10 =	vmul.f32 v10, v13  }
0xe5: {  	s11 =	sadd.s32 $0x40, s11;
	v13 =	vld.idx.msk [tilespmem:v14+s21+$0x0], $0xffff  }
0xe6: {  	v14 =	vadd.f32 $-2.000000030e-01, v19;
	v19 =	vld.idx.msk [tilespmem:v5+s21+$0x0], $0xffff;
	[tilespmem:s11+$0x10] =	vst v10  }
0xe7: {  	v5 =	vadd.f32 $-2.000000030e-01, v20;
	v20 =	vld.idx.msk [tilespmem:v7+s21+$0x0], $0xffff  }
0xe8: {  	v7 =	vadd.f32 $-2.000000030e-01, v16;
	v21 =	vmul.f32 $2.088775480e+02, v14;
	v16 =	vld.idx.msk [tilespmem:v6+s21+$0x0], $0xffff  }
0xe9: {  	v22 =	vmul.f32 $2.088775480e+02, v5;
	v5 =	vadd.f32 $-2.000000030e-01, v18;
	v17 =	vld.idx.msk [tilespmem:v17+s7+$0x0], $0xffff  }
0xea: {  	v18 =	vmul.f32 $2.088775480e+02, v7;
	v6 =	vtrunc.f32 v21;
	v23 =	vld.idx.msk [tilespmem:v2+s7+$0x0], $0xffff  }
0xeb: {  	v24 =	vmul.f32 $2.088775480e+02, v5;
	v2 =	vcvt.f32.s32 v6;
	v25 =	vld.idx.msk [tilespmem:v4+s7+$0x0], $0xffff  }
0xec: {  	v4 =	vtrunc.f32 v22;
	v15 =	vsub.f32 v15, v19;
	v5 =	vtrunc.f32 v18;
	v26 =	vld.idx.msk [tilespmem:v8+s7+$0x0], $0xffff  }
0xed: {  	v4 =	vcvt.f32.s32 v4;
	v6 =	vtrunc.f32 v24;
	vm0 =	vlt.s32 v2, $0x7FE;
	v27 =	vld.idx.msk [tilespmem:v9+s7+$0x0], $0xffff  }
0xee: {  	s16 =	sadd.s32 $0x40, s16;
	v7 =	vcvt.f32.s32 v5;
	v6 =	vcvt.f32.s32 v6;
	v28 =	vnsel vm0, $0x7FE, v2;
	v11 =	vld.idx.msk [tilespmem:v11+s7+$0x0], $0xffff  }
0xef: {  	s17 =	sadd.s32 $0x40, s17;
	v9 =	vsub.f32 v12, v20;
	vm0 =	vlt.s32 v4, $0x7FE;
	v29 =	vld [tilespmem:s16+$0x10];
	v8 =	vadd.s32 $0x1, v28  }
0xf0: {  	v5 =	vnsel vm0, $0x7FE, v4;
	vm0 =	vlt.s32 v7, $0x7FE;
	vm1 =	vlt.s32 v6, $0x7FE;
	v12 =	vld [tilespmem:s17+$0x10]  }
0xf1: {  	v30 =	vadd.s32 $0x1, v5;
	v7 =	vnsel vm0, $0x7FE, v7;
	v2 =	vld [tilespmem:s17+$0xFFFFFFE0];
	v6 =	vnsel vm1, $0x7FE, v6  }
0xf2: {  	v31 =	vcvt.s32.f32 v5;
	v32 =	vadd.s32 $0x1, v7;
	v4 =	vld [tilespmem:s16+$0xFFFFFFF0];
	v14 =	vadd.s32 $0x1, v6  }
0xf3: {  	v13 =	vsub.f32 v13, v16;
	v33 =	vcvt.s32.f32 v7;
	v34 =	vcvt.s32.f32 v6;
	v10 =	vld.idx.msk [tilespmem:v28+s21+$0x0], $0xffff  }
0xf4: {  	v15 =	vmul.f32 v0, v15;
	v0 =	vsub.f32 v22, v31;
	v22 =	vmul.f32 v1, v9;
	v35 =	vld.idx.msk [tilespmem:v8+s21+$0x0], $0xffff  }
0xf5: {  	v1 =	vsub.f32 v18, v33;
	v18 =	vmul.f32 v3, v13;
	v3 =	vsub.f32 v24, v34;
	v8 =	vld [tilespmem:s17+$0xFFFFFFF0]  }
0xf6: {  	v15 =	vadd.f32 v15, v19;
	v17 =	vmul.f32 v23, v17;
	v19 =	vadd.f32 v22, v20;
	v9 =	vld [tilespmem:s16+$0x0]  }
0xf7: {  	v20 =	vmul.f32 v26, v25;
	v22 =	vmul.f32 v11, v27;
	v18 =	vadd.f32 v18, v16;
	v13 =	vld.idx.msk [tilespmem:v29+s7+$0x0], $0xffff  }
.Ltmp1:
0xf8: {  	v15 =	vmul.f32 v15, v17;
	v16 =	vld.idx.msk [tilespmem:v12+s7+$0x0], $0xffff;
	v12 =	vcvt.s32.f32 v28;
	(pc) =	sbr.rel @p1 .LBB2_5-.Ltmp1, $4  }
0xf9: {  	v19 =	vmul.f32 v19, v20;
	v20 =	vmul.f32 v18, v22;
	v11 =	vld [tilespmem:s17+$0x0]  }
0xfa: {  	v17 =	vld [tilespmem:s16+$0xFFFFFFE0];
	v18 =	vsub.f32 v21, v12;
	v21 =	vsub.f32 v35, v10;
	[tilespmem:s11+$0xFFFFFFE0] =	vst v15  }
0xfb: {  	v15 =	vld.idx.msk [tilespmem:v30+s21+$0x0], $0xffff;
	[tilespmem:s11+$0xFFFFFFF0] =	vst v19  }
0xfc: {  	s19 =	sadd.s32 $0x40, s19;
	v12 =	vld.idx.msk [tilespmem:v32+s21+$0x0], $0xffff;
	v18 =	vmul.f32 v18, v21;
	[tilespmem:s11+$0x0] =	vst v20  }
0xfd: {  	_ =	sdelay $0x3  }
0xfe: {  	v14 =	vld.idx.msk [tilespmem:v14+s21+$0x0], $0xffff  }
0xff: {  	v5 =	vld.idx.msk [tilespmem:v5+s21+$0x0], $0xffff  }
0x100: {  	v7 =	vld.idx.msk [tilespmem:v7+s21+$0x0], $0xffff  }
0x101: {  	v6 =	vld.idx.msk [tilespmem:v6+s21+$0x0], $0xffff  }
0x102: {  	v2 =	vld.idx.msk [tilespmem:v2+s7+$0x0], $0xffff  }
0x103: {  	v4 =	vld.idx.msk [tilespmem:v4+s7+$0x0], $0xffff  }
0x104: {  	v8 =	vld.idx.msk [tilespmem:v8+s7+$0x0], $0xffff  }
0x105: {  	v17 =	vld.idx.msk [tilespmem:v17+s7+$0x0], $0xffff  }
0x106: {  	v9 =	vld.idx.msk [tilespmem:v9+s7+$0x0], $0xffff;
	v15 =	vsub.f32 v15, v5  }
0x107: {  	v11 =	vld.idx.msk [tilespmem:v11+s7+$0x0], $0xffff;
	v12 =	vsub.f32 v12, v7  }
0x108: {  	v14 =	vsub.f32 v14, v6;
	v0 =	vmul.f32 v0, v15  }
0x109: {  	v13 =	vmul.f32 v16, v13;
	v10 =	vadd.f32 v18, v10;
	v1 =	vmul.f32 v1, v12  }
0x10a: {  	v3 =	vmul.f32 v3, v14;
	v2 =	vmul.f32 v2, v17;
	v0 =	vadd.f32 v0, v5  }
0x10b: {  	s15 =	sadd.s32 $0x1, s15;
	v61 =	vmul.f32 v10, v13;
	v4 =	vmul.f32 v8, v4;
	v1 =	vadd.f32 v1, v7  }
0x10c: {  	s11 =	sadd.s32 $0x40, s11;
	p1 =	sne.s32 s15, $0x30;
	v62 =	vmul.f32 v11, v9;
	v3 =	vadd.f32 v3, v6;
	v0 =	vmul.f32 v0, v2  }
.Ltmp2:
0x10d: {  	[tilespmem:s11+$0x10] =	vst v61;
	v1 =	vmul.f32 v1, v4;
	(pc) =	sbr.rel @p1 .LBB2_2-.Ltmp2, $4  }
0x10e: {  	v63 =	vmul.f32 v3, v62;
	[tilespmem:s11+$0xFFFFFFE0] =	vst v0  }
0x10f: {  	[tilespmem:s11+$0xFFFFFFF0] =	vst v1  }
0x110: {  	[tilespmem:s11+$0x0] =	vst v63  }
0x111: {  	[spmem:s6] =	stream.indirect.scatter.add.f32 [tilespmem:s9], [sflag:$0x4], $0x1, s29, s3, $0xb8;
	[tilespmem:$0x1FD80] =	vst v63  }
0x112: {  	_ =	swait.ge [sflag:s10], $0x800  }
0x113: {  	[sflag:s10] =	ssyncset.done $0x0  }
0x114: {  	[sflag:s10] =	ssyncadd.s32 $0xFFFFF800  }
0x115: {  	_ =	swait.ge [sflag:s31], $0x800  }
0x116: {  	[sflag:s31] =	ssyncset.done $0x0  }
0x117: {  	[sflag:s31] =	ssyncadd.s32 $0xFFFFF800  }
0x118: {  	_ =	swait.ge [sflag:s31], $0x800  }
0x119: {  	[sflag:s31] =	ssyncset.done $0x0  }
0x11a: {  	[sflag:s31] =	ssyncadd.s32 $0xFFFFF800  }
0x11b: {  	_ =	swait.ge [sflag:s31], $0x800  }
0x11c: {  	[sflag:s31] =	ssyncset.done $0x0  }
0x11d: {  	s11 =	simm.s32 $0x1A8A0;
	[sflag:s31] =	ssyncadd.s32 $0xFFFFF800  }
0x11e: {  	v0 =	vld [tilespmem:s11+$0x10]  }
0x11f: {  	v1 =	vld [tilespmem:s11+$0xFFFFFFE0]  }
0x120: {  	v2 =	vld [tilespmem:s11+$0xFFFFFFF0]  }
0x121: {  	s15 =	simm.s32 $0x1B0A0;
	v4 =	vld [tilespmem:s11+$0x0]  }
0x122: {  	s19 =	simm.s32 $0x1B8A0;
	v5 =	vld [tilespmem:s15+$0x10]  }
0x123: {  	v7 =	vld [tilespmem:s19+$0x10];
	v0 =	vadd.f32 $-2.000000030e-01, v0  }
0x124: {  	v9 =	vld [tilespmem:s19+$0xFFFFFFE0]  }
0x125: {  	v11 =	vld [tilespmem:s15+$0xFFFFFFF0];
	v0 =	vmul.f32 $2.088775480e+02, v0  }
0x126: {  	v13 =	vld [tilespmem:s19+$0xFFFFFFF0]  }
0x127: {  	v15 =	vld [tilespmem:s15+$0x0];
	v1 =	vadd.f32 $-2.000000030e-01, v1;
	v3 =	vtrunc.f32 v0  }
0x128: {  	v18 =	vld [tilespmem:s19+$0x0];
	v4 =	vadd.f32 $-2.000000030e-01, v4;
	v3 =	vcvt.f32.s32 v3  }
0x129: {  	s22 =	simm.s32 $0x1A8E0;
	v19 =	vld [tilespmem:s15+$0xFFFFFFE0];
	v1 =	vmul.f32 $2.088775480e+02, v1  }
0x12a: {  	v21 =	vld [tilespmem:s22+$0x10];
	v4 =	vmul.f32 $2.088775480e+02, v4;
	vm0 =	vlt.s32 v3, $0x7FE  }
0x12b: {  	v22 =	vld [tilespmem:s22+$0xFFFFFFE0];
	v2 =	vadd.f32 $-2.000000030e-01, v2;
	v8 =	vtrunc.f32 v1;
	v3 =	vnsel vm0, $0x7FE, v3  }
0x12c: {  	v23 =	vld [tilespmem:s22+$0xFFFFFFF0];
	v16 =	vtrunc.f32 v4;
	v8 =	vcvt.f32.s32 v8;
	v6 =	vadd.s32 $0x1, v3  }
0x12d: {  	v24 =	vld [tilespmem:s22+$0x0];
	v16 =	vcvt.f32.s32 v16  }
0x12e: {  	v2 =	vmul.f32 $2.088775480e+02, v2;
	v5 =	vld.idx.msk [tilespmem:v5+s7+$0x0], $0xffff;
	vm10 =	vlt.s32 v8, $0x7FE  }
0x12f: {  	v7 =	vld.idx.msk [tilespmem:v7+s7+$0x0], $0xffff;
	vm12 =	vlt.s32 v16, $0x7FE;
	v8 =	vnsel vm10, $0x7FE, v8  }
0x130: {  	v10 =	vtrunc.f32 v2;
	v16 =	vnsel vm12, $0x7FE, v16;
	v12 =	vld.idx.msk [tilespmem:v3+s21+$0x0], $0xffff  }
0x131: {  	s16 =	simm.s32 $0x1B8E0;
	v10 =	vcvt.f32.s32 v10;
	v14 =	vadd.s32 $0x1, v8;
	v6 =	vld.idx.msk [tilespmem:v6+s21+$0x0], $0xffff  }
0x132: {  	v29 =	vld [tilespmem:s16+$0x10];
	v20 =	vadd.s32 $0x1, v16  }
0x133: {  	v61 =	vld.idx.msk [tilespmem:v9+s7+$0x0], $0xffff;
	vm11 =	vlt.s32 v10, $0x7FE;
	v3 =	vcvt.s32.f32 v3  }
0x134: {  	v10 =	vnsel vm11, $0x7FE, v10;
	v5 =	vmul.f32 v7, v5;
	v60 =	vld.idx.msk [tilespmem:v8+s21+$0x0], $0xffff  }
0x135: {  	v7 =	vadd.f32 $-2.000000030e-01, v24;
	v17 =	vadd.s32 $0x1, v10;
	v26 =	vld.idx.msk [tilespmem:v16+s21+$0x0], $0xffff;
	v0 =	vsub.f32 v0, v3  }
0x136: {  	v8 =	vcvt.s32.f32 v8;
	v14 =	vld.idx.msk [tilespmem:v14+s21+$0x0], $0xffff;
	v3 =	vsub.f32 v6, v12;
	v6 =	vadd.f32 $-2.000000030e-01, v21  }
0x137: {  	v27 =	vmul.f32 $2.088775480e+02, v7;
	v20 =	vld.idx.msk [tilespmem:v20+s21+$0x0], $0xffff  }
0x138: {  	v11 =	vld.idx.msk [tilespmem:v11+s7+$0x0], $0xffff;
	v1 =	vsub.f32 v1, v8;
	v0 =	vmul.f32 v0, v3;
	v25 =	vmul.f32 $2.088775480e+02, v6  }
0x139: {  	v8 =	vadd.f32 $-2.000000030e-01, v22;
	v3 =	vld.idx.msk [tilespmem:v10+s21+$0x0], $0xffff;
	v10 =	vcvt.s32.f32 v10;
	v6 =	vcvt.s32.f32 v16  }
0x13a: {  	v16 =	vadd.f32 $-2.000000030e-01, v23;
	v0 =	vadd.f32 v0, v12;
	v12 =	vld.idx.msk [tilespmem:v19+s7+$0x0], $0xffff;
	v19 =	vtrunc.f32 v25  }
0x13b: {  	v17 =	vld.idx.msk [tilespmem:v17+s21+$0x0], $0xffff;
	v62 =	vmul.f32 $2.088775480e+02, v8;
	v14 =	vsub.f32 v14, v60;
	v9 =	vcvt.f32.s32 v19  }
0x13c: {  	v15 =	vld.idx.msk [tilespmem:v15+s7+$0x0], $0xffff;
	v20 =	vsub.f32 v20, v26;
	v63 =	vmul.f32 $2.088775480e+02, v16;
	v19 =	vsub.f32 v2, v10  }
0x13d: {  	v18 =	vld.idx.msk [tilespmem:v18+s7+$0x0], $0xffff;
	v2 =	vtrunc.f32 v62;
	v0 =	vmul.f32 v0, v5;
	vm13 =	vlt.s32 v9, $0x7FE  }
0x13e: {  	s15 =	simm.s32 $0x1B0E0;
	v16 =	vld.idx.msk [tilespmem:v13+s7+$0x0], $0xffff;
	v7 =	vcvt.f32.s32 v2;
	v2 =	vtrunc.f32 v27;
	v28 =	vnsel vm13, $0x7FE, v9  }
0x13f: {  	v13 =	vld [tilespmem:s15+$0x10];
	v5 =	vtrunc.f32 v63;
	v10 =	vcvt.f32.s32 v2;
	v8 =	vadd.s32 $0x1, v28  }
0x140: {  	v17 =	vsub.f32 v17, v3;
	v2 =	vld [tilespmem:s16+$0xFFFFFFE0];
	v9 =	vsub.f32 v4, v6;
	v6 =	vcvt.f32.s32 v5  }
0x141: {  	v1 =	vmul.f32 v1, v14;
	vm14 =	vlt.s32 v7, $0x7FE;
	v4 =	vld [tilespmem:s15+$0xFFFFFFF0];
	vm1 =	vlt.s32 v10, $0x7FE  }
0x142: {  	v17 =	vmul.f32 v19, v17;
	vm15 =	vlt.s32 v6, $0x7FE;
	v19 =	vmul.f32 v9, v20;
	v9 =	vld [tilespmem:s15+$0x0]  }
0x143: {  	v5 =	vnsel vm14, $0x7FE, v7;
	v7 =	vnsel vm15, $0x7FE, v6;
	v6 =	vnsel vm1, $0x7FE, v10;
	v10 =	vld.idx.msk [tilespmem:v28+s21+$0x0], $0xffff  }
0x144: {  	v15 =	vmul.f32 v18, v15;
	v1 =	vadd.f32 v1, v60;
	v12 =	vmul.f32 v61, v12;
	v32 =	vld.idx.msk [tilespmem:v8+s21+$0x0], $0xffff  }
0x145: {  	v30 =	vadd.s32 $0x1, v5;
	v3 =	vadd.f32 v17, v3;
	v17 =	vmul.f32 v16, v11;
	v16 =	vld.idx.msk [tilespmem:v29+s7+$0x0], $0xffff  }
0x146: {  	v31 =	vcvt.s32.f32 v5;
	v1 =	vmul.f32 v1, v12;
	v11 =	vld [tilespmem:s16+$0x0];
	v33 =	vadd.s32 $0x1, v7  }
0x147: {  	s11 =	simm.s32 $0x1D8A0;
	v14 =	vcvt.s32.f32 v7;
	v13 =	vld.idx.msk [tilespmem:v13+s7+$0x0], $0xffff;
	v18 =	vadd.f32 v19, v26;
	v19 =	vcvt.s32.f32 v28  }
0x148: {  	[tilespmem:s11+$0x10] =	vst v0;
	v12 =	vcvt.s32.f32 v6;
	v3 =	vmul.f32 v3, v17;
	v17 =	vld [tilespmem:s15+$0xFFFFFFE0]  }
0x149: {  	[tilespmem:s11+$0xFFFFFFE0] =	vst v1;
	v8 =	vld [tilespmem:s16+$0xFFFFFFF0];
	v20 =	vmul.f32 v18, v15;
	v18 =	vsub.f32 v25, v19;
	v19 =	vsub.f32 v32, v10  }
0x14a: {  	v0 =	vsub.f32 v62, v31;
	v1 =	vsub.f32 v63, v14;
	v15 =	vld.idx.msk [tilespmem:v30+s21+$0x0], $0xffff;
	[tilespmem:s11+$0xFFFFFFF0] =	vst v3  }
0x14b: {  	s17 =	simm.s32 $0x40;
	s18 =	simm.s32 $0x1A920;
	v14 =	vadd.s32 $0x1, v6;
	v3 =	vsub.f32 v27, v12;
	[tilespmem:s11+$0x0] =	vst v20;
	v12 =	vld.idx.msk [tilespmem:v33+s21+$0x0], $0xffff;
	v18 =	vmul.f32 v18, v19  }
.LBB2_8:
0x14c: {  	v19 =	vld [tilespmem:s18+$0x10];
	s17 =	sadd.s32 $0x40, s17  }
0x14d: {  	v13 =	vmul.f32 v16, v13;
	v20 =	vld [tilespmem:s18+$0xFFFFFFE0];
	p1 =	slt.u32 s17, $0x7C0;
	v10 =	vadd.f32 v18, v10  }
0x14e: {  	v16 =	vld [tilespmem:s18+$0xFFFFFFF0]  }
0x14f: {  	v18 =	vld [tilespmem:s18+$0x0];
	v10 =	vmul.f32 v10, v13  }
0x150: {  	s11 =	sadd.s32 $0x40, s11;
	v13 =	vld.idx.msk [tilespmem:v14+s21+$0x0], $0xffff  }
0x151: {  	v14 =	vadd.f32 $-2.000000030e-01, v19;
	v19 =	vld.idx.msk [tilespmem:v5+s21+$0x0], $0xffff;
	[tilespmem:s11+$0x10] =	vst v10  }
0x152: {  	v5 =	vadd.f32 $-2.000000030e-01, v20;
	v20 =	vld.idx.msk [tilespmem:v7+s21+$0x0], $0xffff  }
0x153: {  	v7 =	vadd.f32 $-2.000000030e-01, v16;
	v21 =	vmul.f32 $2.088775480e+02, v14;
	v16 =	vld.idx.msk [tilespmem:v6+s21+$0x0], $0xffff  }
0x154: {  	v22 =	vmul.f32 $2.088775480e+02, v5;
	v5 =	vadd.f32 $-2.000000030e-01, v18;
	v17 =	vld.idx.msk [tilespmem:v17+s7+$0x0], $0xffff  }
0x155: {  	v18 =	vmul.f32 $2.088775480e+02, v7;
	v6 =	vtrunc.f32 v21;
	v23 =	vld.idx.msk [tilespmem:v2+s7+$0x0], $0xffff  }
0x156: {  	v24 =	vmul.f32 $2.088775480e+02, v5;
	v2 =	vcvt.f32.s32 v6;
	v25 =	vld.idx.msk [tilespmem:v4+s7+$0x0], $0xffff  }
0x157: {  	v4 =	vtrunc.f32 v22;
	v15 =	vsub.f32 v15, v19;
	v5 =	vtrunc.f32 v18;
	v26 =	vld.idx.msk [tilespmem:v8+s7+$0x0], $0xffff  }
0x158: {  	v4 =	vcvt.f32.s32 v4;
	v6 =	vtrunc.f32 v24;
	vm0 =	vlt.s32 v2, $0x7FE;
	v27 =	vld.idx.msk [tilespmem:v9+s7+$0x0], $0xffff  }
0x159: {  	s15 =	sadd.s32 $0x40, s15;
	v7 =	vcvt.f32.s32 v5;
	v6 =	vcvt.f32.s32 v6;
	v28 =	vnsel vm0, $0x7FE, v2;
	v11 =	vld.idx.msk [tilespmem:v11+s7+$0x0], $0xffff  }
0x15a: {  	s16 =	sadd.s32 $0x40, s16;
	v9 =	vsub.f32 v12, v20;
	vm0 =	vlt.s32 v4, $0x7FE;
	v29 =	vld [tilespmem:s15+$0x10];
	v8 =	vadd.s32 $0x1, v28  }
0x15b: {  	v5 =	vnsel vm0, $0x7FE, v4;
	vm0 =	vlt.s32 v7, $0x7FE;
	vm1 =	vlt.s32 v6, $0x7FE;
	v12 =	vld [tilespmem:s16+$0x10]  }
0x15c: {  	v30 =	vadd.s32 $0x1, v5;
	v7 =	vnsel vm0, $0x7FE, v7;
	v2 =	vld [tilespmem:s16+$0xFFFFFFE0];
	v6 =	vnsel vm1, $0x7FE, v6  }
0x15d: {  	v31 =	vcvt.s32.f32 v5;
	v32 =	vadd.s32 $0x1, v7;
	v4 =	vld [tilespmem:s15+$0xFFFFFFF0];
	v14 =	vadd.s32 $0x1, v6  }
0x15e: {  	v13 =	vsub.f32 v13, v16;
	v33 =	vcvt.s32.f32 v7;
	v34 =	vcvt.s32.f32 v6;
	v10 =	vld.idx.msk [tilespmem:v28+s21+$0x0], $0xffff  }
0x15f: {  	v15 =	vmul.f32 v0, v15;
	v0 =	vsub.f32 v22, v31;
	v22 =	vmul.f32 v1, v9;
	v35 =	vld.idx.msk [tilespmem:v8+s21+$0x0], $0xffff  }
0x160: {  	v1 =	vsub.f32 v18, v33;
	v18 =	vmul.f32 v3, v13;
	v3 =	vsub.f32 v24, v34;
	v8 =	vld [tilespmem:s16+$0xFFFFFFF0]  }
0x161: {  	v15 =	vadd.f32 v15, v19;
	v17 =	vmul.f32 v23, v17;
	v19 =	vadd.f32 v22, v20;
	v9 =	vld [tilespmem:s15+$0x0]  }
0x162: {  	v20 =	vmul.f32 v26, v25;
	v22 =	vmul.f32 v11, v27;
	v18 =	vadd.f32 v18, v16;
	v13 =	vld.idx.msk [tilespmem:v29+s7+$0x0], $0xffff  }
.Ltmp3:
0x163: {  	v15 =	vmul.f32 v15, v17;
	v16 =	vld.idx.msk [tilespmem:v12+s7+$0x0], $0xffff;
	v12 =	vcvt.s32.f32 v28;
	(pc) =	sbr.rel @p1 .LBB2_8-.Ltmp3, $4  }
0x164: {  	v19 =	vmul.f32 v19, v20;
	v20 =	vmul.f32 v18, v22;
	v11 =	vld [tilespmem:s16+$0x0]  }
0x165: {  	v17 =	vld [tilespmem:s15+$0xFFFFFFE0];
	v18 =	vsub.f32 v21, v12;
	v21 =	vsub.f32 v35, v10;
	[tilespmem:s11+$0xFFFFFFE0] =	vst v15  }
0x166: {  	v15 =	vld.idx.msk [tilespmem:v30+s21+$0x0], $0xffff;
	[tilespmem:s11+$0xFFFFFFF0] =	vst v19  }
0x167: {  	s18 =	sadd.s32 $0x40, s18;
	v12 =	vld.idx.msk [tilespmem:v32+s21+$0x0], $0xffff;
	v18 =	vmul.f32 v18, v21;
	[tilespmem:s11+$0x0] =	vst v20  }
0x168: {  	_ =	sdelay $0x3  }
0x169: {  	v14 =	vld.idx.msk [tilespmem:v14+s21+$0x0], $0xffff  }
0x16a: {  	v5 =	vld.idx.msk [tilespmem:v5+s21+$0x0], $0xffff  }
0x16b: {  	v7 =	vld.idx.msk [tilespmem:v7+s21+$0x0], $0xffff  }
0x16c: {  	v6 =	vld.idx.msk [tilespmem:v6+s21+$0x0], $0xffff  }
0x16d: {  	v2 =	vld.idx.msk [tilespmem:v2+s7+$0x0], $0xffff  }
0x16e: {  	v4 =	vld.idx.msk [tilespmem:v4+s7+$0x0], $0xffff  }
0x16f: {  	v8 =	vld.idx.msk [tilespmem:v8+s7+$0x0], $0xffff  }
0x170: {  	v17 =	vld.idx.msk [tilespmem:v17+s7+$0x0], $0xffff  }
0x171: {  	v9 =	vld.idx.msk [tilespmem:v9+s7+$0x0], $0xffff;
	v15 =	vsub.f32 v15, v5  }
0x172: {  	v11 =	vld.idx.msk [tilespmem:v11+s7+$0x0], $0xffff;
	v12 =	vsub.f32 v12, v7  }
0x173: {  	v14 =	vsub.f32 v14, v6;
	v0 =	vmul.f32 v0, v15  }
0x174: {  	v13 =	vmul.f32 v16, v13;
	v10 =	vadd.f32 v18, v10;
	v1 =	vmul.f32 v1, v12  }
0x175: {  	v3 =	vmul.f32 v3, v14;
	v2 =	vmul.f32 v2, v17;
	v0 =	vadd.f32 v0, v5  }
0x176: {  	v4 =	vmul.f32 v8, v4;
	v5 =	vmul.f32 v10, v13;
	v1 =	vadd.f32 v1, v7  }
0x177: {  	s11 =	sadd.s32 $0x40, s11;
	v3 =	vadd.f32 v3, v6;
	v6 =	vmul.f32 v11, v9;
	v0 =	vmul.f32 v0, v2  }
0x178: {  	[tilespmem:s11+$0x10] =	vst v5;
	v1 =	vmul.f32 v1, v4  }
0x179: {  	v2 =	vmul.f32 v3, v6;
	[tilespmem:s11+$0xFFFFFFE0] =	vst v0  }
0x17a: {  	[tilespmem:s11+$0xFFFFFFF0] =	vst v1  }
0x17b: {  	[tilespmem:s11+$0x0] =	vst v2  }
0x17c: {  	[spmem:s6] =	stream.indirect.scatter.add.f32 [tilespmem:s0], [sflag:$0x5], $0x1, s24, s3, $0xb8;
	[tilespmem:$0x1FD80] =	vst v63  }
0x17d: {  	_ =	swait.ge [sflag:s20], $0x800  }
0x17e: {  	[sflag:s20] =	ssyncset.done $0x0  }
0x17f: {  	s15 =	simm.s32 $0x1E880;
	s16 =	rddreg [dreg:$0xc];
	[sflag:s20] =	ssyncadd.s32 $0xFFFFF800  }
0x180: {  	[tilespmem:s15], [sflag:$0x5] =	stream.linear.gather [hbm4b:s16+s7], $0x540, $0x38;
	[tilespmem:$0x1FD80] =	vst v63  }
0x181: {  	_ =	swait.ge [sflag:s20], $0x540  }
0x182: {  	[sflag:s20] =	ssyncset.done $0x0  }
0x183: {  	s19 =	simm.s32 $0x1EDC0;
	s17 =	rddreg [dreg:$0xd];
	[sflag:s20] =	ssyncadd.s32 $0xFFFFFAC0  }
0x184: {  	[tilespmem:s19], [sflag:$0x5] =	stream.linear.gather [hbm4b:s17+s7], $0x540, $0x38;
	[tilespmem:$0x1FD80] =	vst v63  }
0x185: {  	_ =	swait.ge [sflag:s20], $0x540  }
0x186: {  	[sflag:s20] =	ssyncset.done $0x0  }
0x187: {  	s22 =	simm.s32 $0x1F300;
	s18 =	rddreg [dreg:$0xe];
	[sflag:s20] =	ssyncadd.s32 $0xFFFFFAC0  }
0x188: {  	[tilespmem:s22], [sflag:$0x5] =	stream.linear.gather [hbm4b:s18+s7], $0x540, $0x38;
	[tilespmem:$0x1FD80] =	vst v63  }
0x189: {  	_ =	swait.ge [sflag:s20], $0x540  }
0x18a: {  	[sflag:s20] =	ssyncset.done $0x0  }
0x18b: {  	s16 =	simm.s32 $0x1E8A0;
	[sflag:s20] =	ssyncadd.s32 $0xFFFFFAC0  }
0x18c: {  	v0 =	vld [tilespmem:s16+$0x10]  }
0x18d: {  	v1 =	vld [tilespmem:s16+$0xFFFFFFE0]  }
0x18e: {  	v2 =	vld [tilespmem:s16+$0xFFFFFFF0]  }
0x18f: {  	s17 =	simm.s32 $0x1EDE0;
	v4 =	vld [tilespmem:s16+$0x0]  }
0x190: {  	s18 =	simm.s32 $0x1F320;
	v5 =	vld [tilespmem:s17+$0x10]  }
0x191: {  	v7 =	vld [tilespmem:s18+$0x10];
	v0 =	vadd.f32 $-2.000000030e-01, v0  }
0x192: {  	v9 =	vld [tilespmem:s18+$0xFFFFFFE0]  }
0x193: {  	v11 =	vld [tilespmem:s17+$0xFFFFFFF0];
	v0 =	vmul.f32 $2.088775480e+02, v0  }
0x194: {  	v13 =	vld [tilespmem:s18+$0xFFFFFFF0]  }
0x195: {  	v15 =	vld [tilespmem:s17+$0x0];
	v1 =	vadd.f32 $-2.000000030e-01, v1;
	v3 =	vtrunc.f32 v0  }
0x196: {  	v18 =	vld [tilespmem:s18+$0x0];
	v4 =	vadd.f32 $-2.000000030e-01, v4;
	v3 =	vcvt.f32.s32 v3  }
0x197: {  	s22 =	simm.s32 $0x1E8E0;
	v19 =	vld [tilespmem:s17+$0xFFFFFFE0];
	v1 =	vmul.f32 $2.088775480e+02, v1  }
0x198: {  	v21 =	vld [tilespmem:s22+$0x10];
	v4 =	vmul.f32 $2.088775480e+02, v4;
	vm0 =	vlt.s32 v3, $0x7FE  }
0x199: {  	v22 =	vld [tilespmem:s22+$0xFFFFFFE0];
	v2 =	vadd.f32 $-2.000000030e-01, v2;
	v8 =	vtrunc.f32 v1;
	v3 =	vnsel vm0, $0x7FE, v3  }
0x19a: {  	v23 =	vld [tilespmem:s22+$0xFFFFFFF0];
	v16 =	vtrunc.f32 v4;
	v8 =	vcvt.f32.s32 v8;
	v6 =	vadd.s32 $0x1, v3  }
0x19b: {  	v24 =	vld [tilespmem:s22+$0x0];
	v16 =	vcvt.f32.s32 v16  }
0x19c: {  	v2 =	vmul.f32 $2.088775480e+02, v2;
	v5 =	vld.idx.msk [tilespmem:v5+s7+$0x0], $0xffff;
	vm10 =	vlt.s32 v8, $0x7FE  }
0x19d: {  	v7 =	vld.idx.msk [tilespmem:v7+s7+$0x0], $0xffff;
	vm12 =	vlt.s32 v16, $0x7FE;
	v8 =	vnsel vm10, $0x7FE, v8  }
0x19e: {  	v10 =	vtrunc.f32 v2;
	v16 =	vnsel vm12, $0x7FE, v16;
	v12 =	vld.idx.msk [tilespmem:v3+s21+$0x0], $0xffff  }
0x19f: {  	s16 =	simm.s32 $0x1F360;
	v10 =	vcvt.f32.s32 v10;
	v14 =	vadd.s32 $0x1, v8;
	v6 =	vld.idx.msk [tilespmem:v6+s21+$0x0], $0xffff  }
0x1a0: {  	v29 =	vld [tilespmem:s16+$0x10];
	v20 =	vadd.s32 $0x1, v16  }
0x1a1: {  	v61 =	vld.idx.msk [tilespmem:v9+s7+$0x0], $0xffff;
	vm11 =	vlt.s32 v10, $0x7FE;
	v3 =	vcvt.s32.f32 v3  }
0x1a2: {  	v10 =	vnsel vm11, $0x7FE, v10;
	v5 =	vmul.f32 v7, v5;
	v60 =	vld.idx.msk [tilespmem:v8+s21+$0x0], $0xffff  }
0x1a3: {  	v7 =	vadd.f32 $-2.000000030e-01, v24;
	v17 =	vadd.s32 $0x1, v10;
	v26 =	vld.idx.msk [tilespmem:v16+s21+$0x0], $0xffff;
	v0 =	vsub.f32 v0, v3  }
0x1a4: {  	v8 =	vcvt.s32.f32 v8;
	v14 =	vld.idx.msk [tilespmem:v14+s21+$0x0], $0xffff;
	v3 =	vsub.f32 v6, v12;
	v6 =	vadd.f32 $-2.000000030e-01, v21  }
0x1a5: {  	v27 =	vmul.f32 $2.088775480e+02, v7;
	v20 =	vld.idx.msk [tilespmem:v20+s21+$0x0], $0xffff  }
0x1a6: {  	v11 =	vld.idx.msk [tilespmem:v11+s7+$0x0], $0xffff;
	v1 =	vsub.f32 v1, v8;
	v0 =	vmul.f32 v0, v3;
	v25 =	vmul.f32 $2.088775480e+02, v6  }
0x1a7: {  	v8 =	vadd.f32 $-2.000000030e-01, v22;
	v3 =	vld.idx.msk [tilespmem:v10+s21+$0x0], $0xffff;
	v10 =	vcvt.s32.f32 v10;
	v6 =	vcvt.s32.f32 v16  }
0x1a8: {  	v16 =	vadd.f32 $-2.000000030e-01, v23;
	v0 =	vadd.f32 v0, v12;
	v12 =	vld.idx.msk [tilespmem:v19+s7+$0x0], $0xffff;
	v19 =	vtrunc.f32 v25  }
0x1a9: {  	v17 =	vld.idx.msk [tilespmem:v17+s21+$0x0], $0xffff;
	v62 =	vmul.f32 $2.088775480e+02, v8;
	v14 =	vsub.f32 v14, v60;
	v9 =	vcvt.f32.s32 v19  }
0x1aa: {  	v15 =	vld.idx.msk [tilespmem:v15+s7+$0x0], $0xffff;
	v20 =	vsub.f32 v20, v26;
	v63 =	vmul.f32 $2.088775480e+02, v16;
	v19 =	vsub.f32 v2, v10  }
0x1ab: {  	v18 =	vld.idx.msk [tilespmem:v18+s7+$0x0], $0xffff;
	v2 =	vtrunc.f32 v62;
	v0 =	vmul.f32 v0, v5;
	vm13 =	vlt.s32 v9, $0x7FE  }
0x1ac: {  	s15 =	simm.s32 $0x1EE20;
	v16 =	vld.idx.msk [tilespmem:v13+s7+$0x0], $0xffff;
	v7 =	vcvt.f32.s32 v2;
	v2 =	vtrunc.f32 v27;
	v28 =	vnsel vm13, $0x7FE, v9  }
0x1ad: {  	v13 =	vld [tilespmem:s15+$0x10];
	v5 =	vtrunc.f32 v63;
	v10 =	vcvt.f32.s32 v2;
	v8 =	vadd.s32 $0x1, v28  }
0x1ae: {  	v17 =	vsub.f32 v17, v3;
	v2 =	vld [tilespmem:s16+$0xFFFFFFE0];
	v9 =	vsub.f32 v4, v6;
	v6 =	vcvt.f32.s32 v5  }
0x1af: {  	v1 =	vmul.f32 v1, v14;
	vm14 =	vlt.s32 v7, $0x7FE;
	v4 =	vld [tilespmem:s15+$0xFFFFFFF0];
	vm1 =	vlt.s32 v10, $0x7FE  }
0x1b0: {  	v17 =	vmul.f32 v19, v17;
	vm15 =	vlt.s32 v6, $0x7FE;
	v19 =	vmul.f32 v9, v20;
	v9 =	vld [tilespmem:s15+$0x0]  }
0x1b1: {  	v5 =	vnsel vm14, $0x7FE, v7;
	v7 =	vnsel vm15, $0x7FE, v6;
	v6 =	vnsel vm1, $0x7FE, v10;
	v10 =	vld.idx.msk [tilespmem:v28+s21+$0x0], $0xffff  }
0x1b2: {  	v15 =	vmul.f32 v18, v15;
	v1 =	vadd.f32 v1, v60;
	v12 =	vmul.f32 v61, v12;
	v32 =	vld.idx.msk [tilespmem:v8+s21+$0x0], $0xffff  }
0x1b3: {  	v30 =	vadd.s32 $0x1, v5;
	v3 =	vadd.f32 v17, v3;
	v17 =	vmul.f32 v16, v11;
	v16 =	vld.idx.msk [tilespmem:v29+s7+$0x0], $0xffff  }
0x1b4: {  	v31 =	vcvt.s32.f32 v5;
	v1 =	vmul.f32 v1, v12;
	v11 =	vld [tilespmem:s16+$0x0];
	v33 =	vadd.s32 $0x1, v7  }
0x1b5: {  	s11 =	simm.s32 $0x1F860;
	v14 =	vcvt.s32.f32 v7;
	v13 =	vld.idx.msk [tilespmem:v13+s7+$0x0], $0xffff;
	v18 =	vadd.f32 v19, v26;
	v19 =	vcvt.s32.f32 v28  }
0x1b6: {  	[tilespmem:s11+$0x10] =	vst v0;
	v12 =	vcvt.s32.f32 v6;
	v3 =	vmul.f32 v3, v17;
	v17 =	vld [tilespmem:s15+$0xFFFFFFE0]  }
0x1b7: {  	[tilespmem:s11+$0xFFFFFFE0] =	vst v1;
	v8 =	vld [tilespmem:s16+$0xFFFFFFF0];
	v20 =	vmul.f32 v18, v15;
	v18 =	vsub.f32 v25, v19;
	v19 =	vsub.f32 v32, v10  }
0x1b8: {  	v0 =	vsub.f32 v62, v31;
	v1 =	vsub.f32 v63, v14;
	v15 =	vld.idx.msk [tilespmem:v30+s21+$0x0], $0xffff;
	[tilespmem:s11+$0xFFFFFFF0] =	vst v3  }
0x1b9: {  	s17 =	simm.s32 $0x40;
	s18 =	simm.s32 $0x1E920;
	v14 =	vadd.s32 $0x1, v6;
	v3 =	vsub.f32 v27, v12;
	[tilespmem:s11+$0x0] =	vst v20;
	v12 =	vld.idx.msk [tilespmem:v33+s21+$0x0], $0xffff;
	v18 =	vmul.f32 v18, v19  }
.LBB2_10:
0x1ba: {  	v19 =	vld [tilespmem:s18+$0x10];
	s17 =	sadd.s32 $0x40, s17  }
0x1bb: {  	v13 =	vmul.f32 v16, v13;
	v20 =	vld [tilespmem:s18+$0xFFFFFFE0];
	p1 =	slt.u32 s17, $0x500;
	v10 =	vadd.f32 v18, v10  }
0x1bc: {  	v16 =	vld [tilespmem:s18+$0xFFFFFFF0]  }
0x1bd: {  	v18 =	vld [tilespmem:s18+$0x0];
	v10 =	vmul.f32 v10, v13  }
0x1be: {  	s11 =	sadd.s32 $0x40, s11;
	v13 =	vld.idx.msk [tilespmem:v14+s21+$0x0], $0xffff  }
0x1bf: {  	v14 =	vadd.f32 $-2.000000030e-01, v19;
	v19 =	vld.idx.msk [tilespmem:v5+s21+$0x0], $0xffff;
	[tilespmem:s11+$0x10] =	vst v10  }
0x1c0: {  	v5 =	vadd.f32 $-2.000000030e-01, v20;
	v20 =	vld.idx.msk [tilespmem:v7+s21+$0x0], $0xffff  }
0x1c1: {  	v7 =	vadd.f32 $-2.000000030e-01, v16;
	v21 =	vmul.f32 $2.088775480e+02, v14;
	v16 =	vld.idx.msk [tilespmem:v6+s21+$0x0], $0xffff  }
0x1c2: {  	v22 =	vmul.f32 $2.088775480e+02, v5;
	v5 =	vadd.f32 $-2.000000030e-01, v18;
	v17 =	vld.idx.msk [tilespmem:v17+s7+$0x0], $0xffff  }
0x1c3: {  	v18 =	vmul.f32 $2.088775480e+02, v7;
	v6 =	vtrunc.f32 v21;
	v23 =	vld.idx.msk [tilespmem:v2+s7+$0x0], $0xffff  }
0x1c4: {  	v24 =	vmul.f32 $2.088775480e+02, v5;
	v2 =	vcvt.f32.s32 v6;
	v25 =	vld.idx.msk [tilespmem:v4+s7+$0x0], $0xffff  }
0x1c5: {  	v4 =	vtrunc.f32 v22;
	v15 =	vsub.f32 v15, v19;
	v5 =	vtrunc.f32 v18;
	v26 =	vld.idx.msk [tilespmem:v8+s7+$0x0], $0xffff  }
0x1c6: {  	v4 =	vcvt.f32.s32 v4;
	v6 =	vtrunc.f32 v24;
	vm0 =	vlt.s32 v2, $0x7FE;
	v27 =	vld.idx.msk [tilespmem:v9+s7+$0x0], $0xffff  }
0x1c7: {  	s15 =	sadd.s32 $0x40, s15;
	v7 =	vcvt.f32.s32 v5;
	v6 =	vcvt.f32.s32 v6;
	v28 =	vnsel vm0, $0x7FE, v2;
	v11 =	vld.idx.msk [tilespmem:v11+s7+$0x0], $0xffff  }
0x1c8: {  	s16 =	sadd.s32 $0x40, s16;
	v9 =	vsub.f32 v12, v20;
	vm0 =	vlt.s32 v4, $0x7FE;
	v29 =	vld [tilespmem:s15+$0x10];
	v8 =	vadd.s32 $0x1, v28  }
0x1c9: {  	v5 =	vnsel vm0, $0x7FE, v4;
	vm0 =	vlt.s32 v7, $0x7FE;
	vm1 =	vlt.s32 v6, $0x7FE;
	v12 =	vld [tilespmem:s16+$0x10]  }
0x1ca: {  	v30 =	vadd.s32 $0x1, v5;
	v7 =	vnsel vm0, $0x7FE, v7;
	v2 =	vld [tilespmem:s16+$0xFFFFFFE0];
	v6 =	vnsel vm1, $0x7FE, v6  }
0x1cb: {  	v31 =	vcvt.s32.f32 v5;
	v32 =	vadd.s32 $0x1, v7;
	v4 =	vld [tilespmem:s15+$0xFFFFFFF0];
	v14 =	vadd.s32 $0x1, v6  }
0x1cc: {  	v13 =	vsub.f32 v13, v16;
	v33 =	vcvt.s32.f32 v7;
	v34 =	vcvt.s32.f32 v6;
	v10 =	vld.idx.msk [tilespmem:v28+s21+$0x0], $0xffff  }
0x1cd: {  	v15 =	vmul.f32 v0, v15;
	v0 =	vsub.f32 v22, v31;
	v22 =	vmul.f32 v1, v9;
	v35 =	vld.idx.msk [tilespmem:v8+s21+$0x0], $0xffff  }
0x1ce: {  	v1 =	vsub.f32 v18, v33;
	v18 =	vmul.f32 v3, v13;
	v3 =	vsub.f32 v24, v34;
	v8 =	vld [tilespmem:s16+$0xFFFFFFF0]  }
0x1cf: {  	v15 =	vadd.f32 v15, v19;
	v17 =	vmul.f32 v23, v17;
	v19 =	vadd.f32 v22, v20;
	v9 =	vld [tilespmem:s15+$0x0]  }
0x1d0: {  	v20 =	vmul.f32 v26, v25;
	v22 =	vmul.f32 v11, v27;
	v18 =	vadd.f32 v18, v16;
	v13 =	vld.idx.msk [tilespmem:v29+s7+$0x0], $0xffff  }
.Ltmp4:
0x1d1: {  	v15 =	vmul.f32 v15, v17;
	v16 =	vld.idx.msk [tilespmem:v12+s7+$0x0], $0xffff;
	v12 =	vcvt.s32.f32 v28;
	(pc) =	sbr.rel @p1 .LBB2_10-.Ltmp4, $4  }
0x1d2: {  	v19 =	vmul.f32 v19, v20;
	v20 =	vmul.f32 v18, v22;
	v11 =	vld [tilespmem:s16+$0x0]  }
0x1d3: {  	v17 =	vld [tilespmem:s15+$0xFFFFFFE0];
	v18 =	vsub.f32 v21, v12;
	v21 =	vsub.f32 v35, v10;
	[tilespmem:s11+$0xFFFFFFE0] =	vst v15  }
0x1d4: {  	v15 =	vld.idx.msk [tilespmem:v30+s21+$0x0], $0xffff;
	[tilespmem:s11+$0xFFFFFFF0] =	vst v19  }
0x1d5: {  	s18 =	sadd.s32 $0x40, s18;
	v12 =	vld.idx.msk [tilespmem:v32+s21+$0x0], $0xffff;
	v18 =	vmul.f32 v18, v21;
	[tilespmem:s11+$0x0] =	vst v20  }
0x1d6: {  	_ =	sdelay $0x3  }
0x1d7: {  	v14 =	vld.idx.msk [tilespmem:v14+s21+$0x0], $0xffff  }
0x1d8: {  	v5 =	vld.idx.msk [tilespmem:v5+s21+$0x0], $0xffff  }
0x1d9: {  	v7 =	vld.idx.msk [tilespmem:v7+s21+$0x0], $0xffff  }
0x1da: {  	v6 =	vld.idx.msk [tilespmem:v6+s21+$0x0], $0xffff  }
0x1db: {  	v2 =	vld.idx.msk [tilespmem:v2+s7+$0x0], $0xffff  }
0x1dc: {  	v4 =	vld.idx.msk [tilespmem:v4+s7+$0x0], $0xffff  }
0x1dd: {  	v8 =	vld.idx.msk [tilespmem:v8+s7+$0x0], $0xffff  }
0x1de: {  	v17 =	vld.idx.msk [tilespmem:v17+s7+$0x0], $0xffff  }
0x1df: {  	v9 =	vld.idx.msk [tilespmem:v9+s7+$0x0], $0xffff;
	v15 =	vsub.f32 v15, v5  }
0x1e0: {  	v11 =	vld.idx.msk [tilespmem:v11+s7+$0x0], $0xffff;
	v12 =	vsub.f32 v12, v7  }
0x1e1: {  	v14 =	vsub.f32 v14, v6;
	v0 =	vmul.f32 v0, v15  }
0x1e2: {  	v13 =	vmul.f32 v16, v13;
	v10 =	vadd.f32 v18, v10;
	v1 =	vmul.f32 v1, v12  }
0x1e3: {  	v3 =	vmul.f32 v3, v14;
	v2 =	vmul.f32 v2, v17;
	v0 =	vadd.f32 v0, v5  }
0x1e4: {  	v61 =	vmul.f32 v10, v13;
	v4 =	vmul.f32 v8, v4;
	v1 =	vadd.f32 v1, v7  }
0x1e5: {  	s11 =	sadd.s32 $0x40, s11;
	v62 =	vmul.f32 v11, v9;
	v3 =	vadd.f32 v3, v6;
	v0 =	vmul.f32 v0, v2  }
0x1e6: {  	[tilespmem:s11+$0x10] =	vst v61;
	v1 =	vmul.f32 v1, v4  }
0x1e7: {  	v63 =	vmul.f32 v3, v62;
	[tilespmem:s11+$0xFFFFFFE0] =	vst v0  }
0x1e8: {  	[tilespmem:s11+$0xFFFFFFF0] =	vst v1  }
0x1e9: {  	s17 =	simm.s32 $0x540;
	s15 =	simm.s32 $0x1F840;
	[tilespmem:s11+$0x0] =	vst v63  }
0x1ea: {  	[spmem:s6] =	stream.indirect.scatter.add.f32 [tilespmem:s15], [sflag:$0x5], $0x1, s19, s17, $0xb8;
	[tilespmem:$0x1FD80] =	vst v63  }
0x1eb: {  	_ =	swait.ge [sflag:s20], $0x540  }
0x1ec: {  	[sflag:s20] =	ssyncset.done $0x0  }
0x1ed: {  	s18 =	stileid.u32;
	[sflag:s20] =	ssyncadd.s32 $0xFFFFFAC0  }
0x1ee: {  	s11 =	sshll.u32 s18, $0x6;
	[bflag:$0x0] =	sbarrier.arrive $0xFFFF  }
0x1ef: {  	s11 =	sor.u32 $0x1C05, s11;
	s19 =	rddreg [dreg:$0xf]  }
0x1f0: {  	[hbm:s19], [sflag:s11] =	dma.local [spmem:s25], $0x310  }
0x1f1: {  	_ =	swait.ge [sflag:s20], $0x310  }
0x1f2: {  	s12 =	sadd.s32 $0x1, s12;
	s22 =	rddreg [dreg:$0x10]  }
0x1f3: {  	p1 =	sne.s32 s12, s22  }
.Ltmp5:
0x1f4: {  	_ = 	snop;
	(pc) =	sbr.rel @p1 .LBB2_1-.Ltmp5, $3  }
0x1f5: {  	_ =	sdelay $0x1  }
0x1f6: {  	[sflag:s20] =	ssyncset.done $0x0  }
0x1f7: {  	[sflag:s20] =	ssyncadd.s32 $0xFFFFFCF0  }
0x1f8: {  	_ =	sfence.sel $0x180000  }
0x1f9: {  	[bflag:$0x0] =	sbarrier.arrive $0xFFFF  }
0x1fa: {  	_ =	strace $0x90000047  }
0x1fb: {  	[bflag:$0x2] =	sbarrier.arrive $0xFFFF  }
0x1fc: {  	s0 =	rddreg [dreg:$0x7]  }
0x1fd: {  	s0 =	sadd.s32 @!p0 $0x100000, s0  }
0x1fe: {  	[sflag:s0] =	ssyncadd.tile.s32 @!p0 $0x1;
	_ =	shalt  }
.Lfunc_end2:
_tile_overlayer_lowered:
.L_overlay_start_2:
0x1ff: {  	(tag) =	ssettag $0x2  }
0x200: {  	s0 =	rddreg [dreg:$0x0];
	s2 =	stileid.u32  }
0x201: {  	s1 =	rddreg [dreg:$0x1];
	p0 =	sne.s32 s2, $0x0  }
0x202: {  	s3 =	rddreg [dreg:$0x2];
	[bflag:$0x3] =	sbarrier.arrive $0xFFFF;
	s2 =	simm.s32 @!p0 $0x1C05  }
0x203: {  	[timem:s3], [sflag:s2] =	dma.local @!p0 [hbm:s0], s1  }
0x204: {  	s0 =	simm.s32 @!p0 $0x5  }
0x205: {  	_ =	swait.ge @!p0 [sflag:s0], s1  }
0x206: {  	s1 =	ssub.s32 @!p0 $0x0, s1;
	[sflag:s0] =	ssyncset.done @!p0 $0x0  }
0x207: {  	[sflag:s0] =	ssyncadd.s32 @!p0 s1  }
0x208: {  	[bflag:$0x3] =	sbarrier.arrive $0xFFFF  }
0x209: {  	_ =	shalt  }

</sc_bundles>
